<compile_context>
chip_gen: v7x
topology: tpu7x:2x2x1
jax: 0.10.2.dev20260603
libtpu: 0.0.44.dev20260713+nightly
codegen_flags: <defaults>
</compile_context>

<pallas_src>
import functools

import jax
import jax.numpy as jnp
from jax import lax
from jax.experimental import pallas as pl
from jax.experimental.pallas import tpu as pltpu
from jax.experimental.pallas import tpu_sc as plsc

N = 10000
D = 128
NC = 2
NS = 16
NW = NC * NS
C = 128
NP = 10240
ROWS_PER_TILE = NP // NS
CNT_PER_TILE = NP * 8 // NS
RB = 1000
MP = 2560


def _enc_body(x_ref, w_ref, mi_ref, a_ref, h_ref):
    i = pl.program_id(0)
    x = x_ref[...]
    xp = jnp.where(x >= 0, x, a_ref[...] * x)
    h = lax.dot_general(xp, w_ref[...], (((1,), (1,)), ((), ())),
                        preferred_element_type=jnp.float32,
                        precision=lax.Precision.HIGHEST)
    row = lax.broadcasted_iota(jnp.int32, (RB, 1), 0) + i * RB
    hit = jnp.zeros((RB, 1), jnp.bool_)
    for j in range(MP // 128):
        blk = mi_ref[j:j + 1, :]
        hit = jnp.logical_or(hit, jnp.any(row == blk, axis=1, keepdims=True))
    h_ref[...] = jnp.where(hit, 0.0, h)


def _mlp_body(ag_ref, c1_ref, c2_ref, h_ref, e1_ref, e2_ref,
              w1_ref, b1_ref, w2_ref, b2_ref, out_ref):
    agg = ag_ref[0] + ag_ref[1] + h_ref[...]
    agg = agg + (e1_ref[4:5, :] + e2_ref[0:1, :])
    c1 = c1_ref[0] + c1_ref[1]
    c2 = c2_ref[0] + c2_ref[1]
    agg = agg + lax.dot_general(c1, e1_ref[...], (((1,), (0,)), ((), ())),
                                preferred_element_type=jnp.float32,
                                precision=lax.Precision.HIGHEST)
    agg = agg + lax.dot_general(c2, e2_ref[...], (((1,), (0,)), ((), ())),
                                preferred_element_type=jnp.float32,
                                precision=lax.Precision.HIGHEST)
    z = lax.dot_general(agg, w1_ref[...], (((1,), (1,)), ((), ())),
                        preferred_element_type=jnp.float32,
                        precision=lax.Precision.HIGHEST) + b1_ref[...]
    z = jnp.maximum(z, 0.0)
    out_ref[...] = lax.dot_general(z, w2_ref[...], (((1,), (1,)), ((), ())),
                                   preferred_element_type=jnp.float32,
                                   precision=lax.Precision.HIGHEST) + b2_ref[...]


CH0 = 98
CH1 = 60


def _make_sc_aggregate(ch0, ch1):
    mesh = plsc.VectorSubcoreMesh(core_axis_name="c", subcore_axis_name="s",
                                  num_cores=NC, num_subcores=NS)

    @functools.partial(
        pl.kernel,
        out_type=[
            jax.ShapeDtypeStruct((NC, NP, D), jnp.float32),
            jax.ShapeDtypeStruct((NC, NP * 8), jnp.float32),
            jax.ShapeDtypeStruct((NC, NP * 8), jnp.float32),
        ],
        mesh=mesh,
        scratch_types=[
            pltpu.VMEM((4, C), jnp.int32),
            pltpu.VMEM((C,), jnp.int32),
            pltpu.VMEM((C,), jnp.int32),
            pltpu.VMEM((C, D), jnp.float32),
            pltpu.VMEM((C,), jnp.float32),
            pltpu.VMEM_SHARED((NP, D), jnp.float32),
            pltpu.VMEM_SHARED((NP * 8,), jnp.float32),
            pltpu.VMEM_SHARED((NP * 8,), jnp.float32),
        ],
    )
    def sc_aggregate(epk_hbm, h_hbm, zrows_hbm, zflat_hbm, ones_hbm,
                     aggr_out, c1_out, c2_out,
                     edg_v, idx1_v, idx2_v, rows_v, ones_v,
                     aggr_sh, c1_sh, c2_sh):

        c = lax.axis_index("c")
        s = lax.axis_index("s")
        pltpu.sync_copy(zrows_hbm, aggr_sh.at[pl.ds(s * ROWS_PER_TILE, ROWS_PER_TILE)])
        pltpu.sync_copy(zflat_hbm, c1_sh.at[pl.ds(s * CNT_PER_TILE, CNT_PER_TILE)])
        pltpu.sync_copy(zflat_hbm, c2_sh.at[pl.ds(s * CNT_PER_TILE, CNT_PER_TILE)])
        pltpu.sync_copy(ones_hbm, ones_v)
        plsc.subcore_barrier()

        nloc = jnp.where(c == 0, ch0, ch1)
        base = jnp.where(c == 0, s * ch0, NS * ch0 + s * ch1)

        @pl.loop(0, nloc)
        def _chunk(k):
            pltpu.sync_copy(epk_hbm.at[base + k], edg_v)
            pltpu.sync_copy(h_hbm.at[edg_v.at[0]], rows_v)
            for i in range(C // 16):
                sl = pl.ds(i * 16, 16)
                dsl = edg_v[1, sl]
                idx1_v[sl] = dsl * 8 + edg_v[2, sl]
                idx2_v[sl] = dsl * 8 + edg_v[3, sl]
            pltpu.sync_copy(rows_v, aggr_sh.at[edg_v.at[1]], add=True)
            pltpu.sync_copy(ones_v, c1_sh.at[idx1_v], add=True)
            pltpu.sync_copy(ones_v, c2_sh.at[idx2_v], add=True)

        plsc.subcore_barrier()
        rsl = pl.ds(s * ROWS_PER_TILE, ROWS_PER_TILE)
        csl = pl.ds(s * CNT_PER_TILE, CNT_PER_TILE)
        pltpu.sync_copy(aggr_sh.at[rsl], aggr_out.at[c, rsl])
        pltpu.sync_copy(c1_sh.at[csl], c1_out.at[c, csl])
        pltpu.sync_copy(c2_sh.at[csl], c2_out.at[c, csl])

    return sc_aggregate


def kernel(x, edge_index, edge_attr, mask_node_indices, prelu_a,
           W_enc, emb1, emb2, W1, b1, W2, b2):
    e = edge_index.shape[1]
    tch = NS * (CH0 + CH1)
    assert tch * C >= e
    epad = tch * C
    src = jnp.concatenate([edge_index[0].astype(jnp.int32),
                           jnp.zeros((epad - e,), jnp.int32)])
    dst = jnp.concatenate([edge_index[1].astype(jnp.int32),
                           jnp.full((epad - e,), N, jnp.int32)])
    ea0 = jnp.concatenate([edge_attr[:, 0].astype(jnp.int32),
                           jnp.zeros((epad - e,), jnp.int32)])
    ea1 = jnp.concatenate([edge_attr[:, 1].astype(jnp.int32),
                           jnp.zeros((epad - e,), jnp.int32)])
    epk = jnp.stack([src.reshape(-1, C), dst.reshape(-1, C),
                     ea0.reshape(-1, C), ea1.reshape(-1, C)], axis=1)
    mi = jnp.concatenate([mask_node_indices.astype(jnp.int32),
                          jnp.full((MP - mask_node_indices.shape[0],), N,
                                   jnp.int32)]).reshape(MP // 128, 128)
    a11 = jnp.reshape(prelu_a.astype(jnp.float32), (1, 1))
    e1p = jnp.pad(emb1, ((0, 8 - emb1.shape[0]), (0, 0)))
    e2p = jnp.pad(emb2, ((0, 8 - emb2.shape[0]), (0, 0)))
    zrows = jnp.zeros((ROWS_PER_TILE, D), jnp.float32)
    zflat = jnp.zeros((CNT_PER_TILE,), jnp.float32)
    ones128 = jnp.ones((C,), jnp.float32)

    h = pl.pallas_call(
        _enc_body,
        grid=(N // RB,),
        in_specs=[
            pl.BlockSpec((RB, D), lambda i: (i, 0)),
            pl.BlockSpec((D, D), lambda i: (0, 0)),
            pl.BlockSpec((MP // 128, 128), lambda i: (0, 0)),
            pl.BlockSpec((1, 1), lambda i: (0, 0)),
        ],
        out_specs=pl.BlockSpec((RB, D), lambda i: (i, 0)),
        out_shape=jax.ShapeDtypeStruct((N, D), jnp.float32),
    )(x, W_enc, mi, a11)

    aggr, c1f, c2f = _make_sc_aggregate(CH0, CH1)(epk, h, zrows, zflat, ones128)
    c1 = c1f.reshape(NC, NP, 8)
    c2 = c2f.reshape(NC, NP, 8)

    out = pl.pallas_call(
        _mlp_body,
        grid=(N // RB,),
        in_specs=[
            pl.BlockSpec((NC, RB, D), lambda i: (0, i, 0)),
            pl.BlockSpec((NC, RB, 8), lambda i: (0, i, 0)),
            pl.BlockSpec((NC, RB, 8), lambda i: (0, i, 0)),
            pl.BlockSpec((RB, D), lambda i: (i, 0)),
            pl.BlockSpec((8, D), lambda i: (0, 0)),
            pl.BlockSpec((8, D), lambda i: (0, 0)),
            pl.BlockSpec((2 * D, D), lambda i: (0, 0)),
            pl.BlockSpec((1, 2 * D), lambda i: (0, 0)),
            pl.BlockSpec((D, 2 * D), lambda i: (0, 0)),
            pl.BlockSpec((1, D), lambda i: (0, 0)),
        ],
        out_specs=pl.BlockSpec((RB, D), lambda i: (i, 0)),
        out_shape=jax.ShapeDtypeStruct((N, D), jnp.float32),
    )(aggr, c1, c2, h, e1p, e2p, W1, b1.reshape(1, 2 * D), W2,
      b2.reshape(1, D))
    return out

# --- scband reference (transcript-rebuilt; emitter-appended) ---
"""Pipeline reference for scband-gnndecoder-16338055594319 (READ-ONLY COPY).

The authoritative reference and input builder live on the scoring server;
editing this copy changes nothing except your own understanding.
"""

import jax, jax.numpy as jnp
import numpy as np

N = 10000
E = 320000
D = 128
NUM_BOND_TYPE = 6
NUM_BOND_DIRECTION = 3

def setup_inputs(seed: int = 0) -> dict:
    key = jax.random.key(seed)
    ks = [jax.random.fold_in(key, i) for i in range(12)]
    x = jax.random.normal(ks[0], (N, D), dtype=jnp.float32)
    edge_index = jax.random.randint(ks[1], (2, E), 0, N, dtype=jnp.int64)
    edge_attr = jax.random.randint(ks[2], (E, 2), 0, 3, dtype=jnp.int64)
    mask_node_indices = jax.random.randint(ks[3], (2500,), 0, N, dtype=jnp.int64)
    # parameters
    prelu_a = jnp.array(0.25, dtype=jnp.float32)
    W_enc = jax.random.normal(ks[4], (D, D), dtype=jnp.float32) * (1.0 / np.sqrt(D))
    emb1 = jax.random.normal(ks[5], (NUM_BOND_TYPE, D), dtype=jnp.float32) * 0.1
    emb2 = jax.random.normal(ks[6], (NUM_BOND_DIRECTION, D), dtype=jnp.float32) * 0.1
    W1 = jax.random.normal(ks[7], (2 * D, D), dtype=jnp.float32) * (1.0 / np.sqrt(D))
    b1 = jnp.zeros((2 * D,), dtype=jnp.float32)
    W2 = jax.random.normal(ks[8], (D, 2 * D), dtype=jnp.float32) * (1.0 / np.sqrt(2 * D))
    b2 = jnp.zeros((D,), dtype=jnp.float32)
    return {"x": x, "edge_index": edge_index, "edge_attr": edge_attr,
            "mask_node_indices": mask_node_indices, "prelu_a": prelu_a,
            "W_enc": W_enc, "emb1": emb1, "emb2": emb2,
            "W1": W1, "b1": b1, "W2": W2, "b2": b2}

def reference(x, edge_index, edge_attr, mask_node_indices, prelu_a,
              W_enc, emb1, emb2, W1, b1, W2, b2):
    # PReLU activation
    h = jnp.where(x >= 0, x, prelu_a * x)
    # enc_to_dec linear (no bias)
    h = h @ W_enc.T
    # zero out masked nodes (scatter overwrite)
    h = h.at[mask_node_indices].set(0.0)
    n = h.shape[0]
    # add self loops
    loop = jnp.arange(n, dtype=edge_index.dtype)
    ei = jnp.concatenate([edge_index, jnp.stack([loop, loop], axis=0)], axis=1)
    self_loop_attr = jnp.concatenate(
        [jnp.full((n, 1), 4, dtype=edge_attr.dtype),
         jnp.zeros((n, 1), dtype=edge_attr.dtype)], axis=1)
    ea = jnp.concatenate([edge_attr, self_loop_attr], axis=0)
    # edge embeddings (gathers)
    edge_embeddings = jnp.take(emb1, ea[:, 0], axis=0) + jnp.take(emb2, ea[:, 1], axis=0)
    # message: x_j + edge_attr, gathered at source, scatter-added at target
    msg = jnp.take(h, ei[0], axis=0) + edge_embeddings
    aggr = jax.ops.segment_sum(msg, ei[1], num_segments=n)
    # update MLP: Linear(D, 2D) -> ReLU -> Linear(2D, D)
    out = jax.nn.relu(aggr @ W1.T + b1) @ W2.T + b2
    return out

if __name__ == "__main__":
    import jax
    _d = setup_inputs()
    print(jax.jit(kernel)(*tuple(_d.values())))

</pallas_src>

<mosaic_0001>
#map = affine_map<(d0, d1) -> (0, 0, 0)>
#map1 = affine_map<(d0, d1) -> (0, 0)>
#map2 = affine_map<(d0, d1) -> (0)>
module attributes {stable_mosaic.version = 14 : i64} {
  func.func @sc_aggregate(%arg0: i32, %arg1: i32, %arg2: memref<2528x4x128xi32, #tpu.memory_space<hbm>>, %arg3: memref<10000x128xf32, #tpu.memory_space<hbm>>, %arg4: memref<640x128xf32, #tpu.memory_space<hbm>>, %arg5: memref<5120xf32, #tpu.memory_space<hbm>>, %arg6: memref<128xf32, #tpu.memory_space<hbm>>, %arg7: memref<2x10240x128xf32, #tpu.memory_space<hbm>>, %arg8: memref<2x81920xf32, #tpu.memory_space<hbm>>, %arg9: memref<2x81920xf32, #tpu.memory_space<hbm>>, %arg10: memref<4x128xi32, #tpu.memory_space<vmem>>, %arg11: memref<128xi32, #tpu.memory_space<vmem>>, %arg12: memref<128xi32, #tpu.memory_space<vmem>>, %arg13: memref<128x128xf32, #tpu.memory_space<vmem>>, %arg14: memref<128xf32, #tpu.memory_space<vmem>>, %arg15: memref<10240x128xf32, #tpu.memory_space<vmem_shared>>, %arg16: memref<81920xf32, #tpu.memory_space<vmem_shared>>, %arg17: memref<81920xf32, #tpu.memory_space<vmem_shared>>) attributes {dimension_semantics = [#tpu.dimension_semantics<core_parallel>, #tpu.dimension_semantics<subcore_parallel>], iteration_bounds = array<i64: 2, 16>, scalar_prefetch = 0 : i64, scratch_operands = 8 : i64, tpu.core_type = #tpu.core_type<sc_vector_subcore>, window_params = [{transform_indices = #map}, {transform_indices = #map1}, {transform_indices = #map1}, {transform_indices = #map2}, {transform_indices = #map2}, {transform_indices = #map}, {transform_indices = #map1}, {transform_indices = #map1}]} {
    %mul3A = arith.constant 640 : i32
    %mul3A_0 = arith.muli %arg1, %mul3A : i32
    "tpu.region"() ({
      %run_scoped3A = tpu.sem_alloc : memref<!tpu.dma_semaphore, #tpu.memory_space<semaphore_mem>>
      %dma_start3A = arith.constant 0 : i32
      %dma_start3A_36 = tpu.memref_slice %arg15[%mul3A_0, %dma_start3A] : memref<10240x128xf32, #tpu.memory_space<vmem_shared>> -> memref<640x128xf32, #tpu.memory_space<vmem_shared>>
      tpu.enqueue_dma source(%arg4 : memref<640x128xf32, #tpu.memory_space<hbm>>) target(%dma_start3A_36 : memref<640x128xf32, #tpu.memory_space<vmem_shared>>) target_semaphore(%run_scoped3A : memref<!tpu.dma_semaphore, #tpu.memory_space<semaphore_mem>>)
      %dma_wait3A = arith.constant 0 : i32
      %dma_wait3A_37 = tpu.memref_slice %arg15[%mul3A_0, %dma_wait3A] : memref<10240x128xf32, #tpu.memory_space<vmem_shared>> -> memref<640x128xf32, #tpu.memory_space<vmem_shared>>
      tpu.wait_dma2 semaphore(%run_scoped3A : memref<!tpu.dma_semaphore, #tpu.memory_space<semaphore_mem>>) src(%arg4 : memref<640x128xf32, #tpu.memory_space<hbm>>) dst(%dma_wait3A_37 : memref<640x128xf32, #tpu.memory_space<vmem_shared>>)
      tpu.yield
    }) : () -> ()
    %mul3A_1 = arith.constant 5120 : i32
    %mul3A_2 = arith.muli %arg1, %mul3A_1 : i32
    "tpu.region"() ({
      %run_scoped3A = tpu.sem_alloc : memref<!tpu.dma_semaphore, #tpu.memory_space<semaphore_mem>>
      %dma_start3A = tpu.memref_slice %arg16[%mul3A_2] : memref<81920xf32, #tpu.memory_space<vmem_shared>> -> memref<5120xf32, #tpu.memory_space<vmem_shared>>
      tpu.enqueue_dma source(%arg5 : memref<5120xf32, #tpu.memory_space<hbm>>) target(%dma_start3A : memref<5120xf32, #tpu.memory_space<vmem_shared>>) target_semaphore(%run_scoped3A : memref<!tpu.dma_semaphore, #tpu.memory_space<semaphore_mem>>)
      %dma_wait3A = tpu.memref_slice %arg16[%mul3A_2] : memref<81920xf32, #tpu.memory_space<vmem_shared>> -> memref<5120xf32, #tpu.memory_space<vmem_shared>>
      tpu.wait_dma2 semaphore(%run_scoped3A : memref<!tpu.dma_semaphore, #tpu.memory_space<semaphore_mem>>) src(%arg5 : memref<5120xf32, #tpu.memory_space<hbm>>) dst(%dma_wait3A : memref<5120xf32, #tpu.memory_space<vmem_shared>>)
      tpu.yield
    }) : () -> ()
    %mul3A_3 = arith.constant 5120 : i32
    %mul3A_4 = arith.muli %arg1, %mul3A_3 : i32
    "tpu.region"() ({
      %run_scoped3A = tpu.sem_alloc : memref<!tpu.dma_semaphore, #tpu.memory_space<semaphore_mem>>
      %dma_start3A = tpu.memref_slice %arg17[%mul3A_4] : memref<81920xf32, #tpu.memory_space<vmem_shared>> -> memref<5120xf32, #tpu.memory_space<vmem_shared>>
      tpu.enqueue_dma source(%arg5 : memref<5120xf32, #tpu.memory_space<hbm>>) target(%dma_start3A : memref<5120xf32, #tpu.memory_space<vmem_shared>>) target_semaphore(%run_scoped3A : memref<!tpu.dma_semaphore, #tpu.memory_space<semaphore_mem>>)
      %dma_wait3A = tpu.memref_slice %arg17[%mul3A_4] : memref<81920xf32, #tpu.memory_space<vmem_shared>> -> memref<5120xf32, #tpu.memory_space<vmem_shared>>
      tpu.wait_dma2 semaphore(%run_scoped3A : memref<!tpu.dma_semaphore, #tpu.memory_space<semaphore_mem>>) src(%arg5 : memref<5120xf32, #tpu.memory_space<hbm>>) dst(%dma_wait3A : memref<5120xf32, #tpu.memory_space<vmem_shared>>)
      tpu.yield
    }) : () -> ()
    "tpu.region"() ({
      %run_scoped3A = tpu.sem_alloc : memref<!tpu.dma_semaphore, #tpu.memory_space<semaphore_mem>>
      tpu.enqueue_dma source(%arg6 : memref<128xf32, #tpu.memory_space<hbm>>) target(%arg14 : memref<128xf32, #tpu.memory_space<vmem>>) target_semaphore(%run_scoped3A : memref<!tpu.dma_semaphore, #tpu.memory_space<semaphore_mem>>)
      tpu.wait_dma2 semaphore(%run_scoped3A : memref<!tpu.dma_semaphore, #tpu.memory_space<semaphore_mem>>) src(%arg6 : memref<128xf32, #tpu.memory_space<hbm>>) dst(%arg14 : memref<128xf32, #tpu.memory_space<vmem>>)
      tpu.yield
    }) : () -> ()
    %barrier3A = arith.constant 0 : index
    tpu.barrier barrier_id(%barrier3A)
    %eq3A = arith.constant 0 : i32
    %eq3A_5 = arith.cmpi eq, %arg0, %eq3A : i32
    %jit3A = arith.constant 98 : i32
    %jit3A_6 = arith.constant 60 : i32
    %select_n3A = arith.select %eq3A_5, %jit3A, %jit3A_6 : i32
    %eq3A_7 = arith.constant 0 : i32
    %eq3A_8 = arith.cmpi eq, %arg0, %eq3A_7 : i32
    %mul3A_9 = arith.constant 98 : i32
    %mul3A_10 = arith.muli %arg1, %mul3A_9 : i32
    %mul3A_11 = arith.constant 60 : i32
    %mul3A_12 = arith.muli %arg1, %mul3A_11 : i32
    %add3A = arith.constant 1568 : i32
    %add3A_13 = arith.addi %add3A, %mul3A_12 : i32
    %select_n3A_14 = arith.select %eq3A_8, %mul3A_10, %add3A_13 : i32
    %sub3A = arith.constant 0 : i32
    %sub3A_15 = arith.subi %select_n3A, %sub3A : i32
    %sub3A_16 = arith.constant 1 : i32
    %sub3A_17 = arith.constant 1 : i32
    %sub3A_18 = arith.subi %sub3A_16, %sub3A_17 : i32
    %add3A_19 = arith.addi %sub3A_15, %sub3A_18 : i32
    %div3A = arith.constant 1 : i32
    %div3A_20 = arith.divsi %add3A_19, %div3A : i32
    %while3A = arith.constant 1 : i32
    %while3A_21 = arith.constant 0 : i32
    %while3A_22 = arith.constant 0 : i32
    %while3A_23 = arith.subi %div3A_20, %while3A_22 : i32
    %while3A_24 = arith.addi %while3A_22, %while3A_23 : i32
    %while3A_25 = arith.constant 1 : i32
    %while3A_26 = arith.divsi %while3A_23, %while3A_25 : i32
    %while3A_27 = arith.muli %while3A_26, %while3A_25 : i32
    %while3A_28 = arith.addi %while3A_22, %while3A_27 : i32
    %while3A_29 = arith.constant 1 : i32
    scf.for %while3A_36 = %while3A_22 to %while3A_28 step %while3A_29  : i32 {
      %mul3A_37 = arith.muli %while3A_36, %while3A : i32
      %add3A_38 = arith.addi %while3A_21, %mul3A_37 : i32
      %add3A_39 = arith.addi %select_n3A_14, %add3A_38 : i32
      "tpu.region"() ({
        %run_scoped3A_287 = tpu.sem_alloc : memref<!tpu.dma_semaphore, #tpu.memory_space<semaphore_mem>>
        %dma_start3A = arith.constant 0 : i32
        %dma_start3A_288 = arith.constant 0 : i32
        %dma_start3A_289 = tpu.memref_slice %arg2[%add3A_39, %dma_start3A, %dma_start3A_288] : memref<2528x4x128xi32, #tpu.memory_space<hbm>> -> memref<1x4x128xi32, #tpu.memory_space<hbm>>
        %dma_start3A_290 = tpu.memref_squeeze %dma_start3A_289 : memref<1x4x128xi32, #tpu.memory_space<hbm>> -> memref<4x128xi32, #tpu.memory_space<hbm>>
        %dma_start3A_291 = arith.constant 0 : i32
        %dma_start3A_292 = arith.constant 0 : i32
        %dma_start3A_293 = tpu.memref_slice %arg2[%add3A_39, %dma_start3A_291, %dma_start3A_292] : memref<2528x4x128xi32, #tpu.memory_space<hbm>> -> memref<1x4x128xi32, #tpu.memory_space<hbm>>
        %dma_start3A_294 = tpu.memref_squeeze %dma_start3A_293 : memref<1x4x128xi32, #tpu.memory_space<hbm>> -> memref<4x128xi32, #tpu.memory_space<hbm>>
        tpu.enqueue_dma source(%dma_start3A_294 : memref<4x128xi32, #tpu.memory_space<hbm>>) target(%arg10 : memref<4x128xi32, #tpu.memory_space<vmem>>) target_semaphore(%run_scoped3A_287 : memref<!tpu.dma_semaphore, #tpu.memory_space<semaphore_mem>>)
        %dma_wait3A = arith.constant 0 : i32
        %dma_wait3A_295 = arith.constant 0 : i32
        %dma_wait3A_296 = tpu.memref_slice %arg2[%add3A_39, %dma_wait3A, %dma_wait3A_295] : memref<2528x4x128xi32, #tpu.memory_space<hbm>> -> memref<1x4x128xi32, #tpu.memory_space<hbm>>
        %dma_wait3A_297 = tpu.memref_squeeze %dma_wait3A_296 : memref<1x4x128xi32, #tpu.memory_space<hbm>> -> memref<4x128xi32, #tpu.memory_space<hbm>>
        %dma_wait3A_298 = arith.constant 0 : i32
        %dma_wait3A_299 = arith.constant 0 : i32
        %dma_wait3A_300 = tpu.memref_slice %arg2[%add3A_39, %dma_wait3A_298, %dma_wait3A_299] : memref<2528x4x128xi32, #tpu.memory_space<hbm>> -> memref<1x4x128xi32, #tpu.memory_space<hbm>>
        %dma_wait3A_301 = tpu.memref_squeeze %dma_wait3A_300 : memref<1x4x128xi32, #tpu.memory_space<hbm>> -> memref<4x128xi32, #tpu.memory_space<hbm>>
        tpu.wait_dma2 semaphore(%run_scoped3A_287 : memref<!tpu.dma_semaphore, #tpu.memory_space<semaphore_mem>>) src(%dma_wait3A_301 : memref<4x128xi32, #tpu.memory_space<hbm>>) dst(%arg10 : memref<4x128xi32, #tpu.memory_space<vmem>>)
        tpu.yield
      }) : () -> ()
      %run_scoped3A = arith.constant 0 : i32
      "tpu.region"() ({
        %run_scoped3A_287 = tpu.sem_alloc : memref<!tpu.dma_semaphore, #tpu.memory_space<semaphore_mem>>
        %dma_start3A = arith.constant 0 : i32
        %dma_start3A_288 = tpu.memref_slice %arg10[%run_scoped3A, %dma_start3A] : memref<4x128xi32, #tpu.memory_space<vmem>> -> memref<1x128xi32, #tpu.memory_space<vmem>>
        %dma_start3A_289 = tpu.memref_squeeze %dma_start3A_288 : memref<1x128xi32, #tpu.memory_space<vmem>> -> memref<128xi32, #tpu.memory_space<vmem>>
        %dma_start3A_290 = arith.constant 0 : i32
        %dma_start3A_291 = arith.constant 0 : i32
        %dma_start3A_292 = tpu.memref_slice %arg3[%dma_start3A_290, %dma_start3A_291] : memref<10000x128xf32, #tpu.memory_space<hbm>> -> memref<10000x128xf32, #tpu.memory_space<hbm>>
        tpu.enqueue_indirect_dma source(%dma_start3A_292 : memref<10000x128xf32, #tpu.memory_space<hbm>>) target(%arg13 : memref<128x128xf32, #tpu.memory_space<vmem>>) offsets(%dma_start3A_289 : memref<128xi32, #tpu.memory_space<vmem>>) semaphore(%run_scoped3A_287 : memref<!tpu.dma_semaphore, #tpu.memory_space<semaphore_mem>>)
        %dma_wait3A = arith.constant 0 : i32
        %dma_wait3A_293 = tpu.memref_slice %arg10[%run_scoped3A, %dma_wait3A] : memref<4x128xi32, #tpu.memory_space<vmem>> -> memref<1x128xi32, #tpu.memory_space<vmem>>
        %dma_wait3A_294 = tpu.memref_squeeze %dma_wait3A_293 : memref<1x128xi32, #tpu.memory_space<vmem>> -> memref<128xi32, #tpu.memory_space<vmem>>
        %dma_wait3A_295 = arith.constant 0 : i32
        %dma_wait3A_296 = arith.constant 0 : i32
        %dma_wait3A_297 = tpu.memref_slice %arg3[%dma_wait3A_295, %dma_wait3A_296] : memref<10000x128xf32, #tpu.memory_space<hbm>> -> memref<10000x128xf32, #tpu.memory_space<hbm>>
        tpu.wait_indirect_dma semaphore(%run_scoped3A_287 : memref<!tpu.dma_semaphore, #tpu.memory_space<semaphore_mem>>) src(%dma_wait3A_297 : memref<10000x128xf32, #tpu.memory_space<hbm>>) dst(%arg13 : memref<128x128xf32, #tpu.memory_space<vmem>>)
        tpu.yield
      }) : () -> ()
      %get3A = arith.constant 1 : i32
      %get3A_40 = arith.index_cast %get3A : i32 to index
      %get3A_41 = arith.constant 0 : index
      %get3A_42 = tpu.vector_load %arg10[%get3A_40, %get3A_41] {strides = array<i32>} : memref<4x128xi32, #tpu.memory_space<vmem>>, vector<1x16xi32>,
      %get3A_43 = vector.shape_cast %get3A_42 : vector<1x16xi32> to vector<16xi32>
      %mul3A_44 = arith.constant 8 : i32
      %mul3A_45 = vector.broadcast %mul3A_44 : i32 to vector<16xi32>
      %mul3A_46 = arith.muli %get3A_43, %mul3A_45 : vector<16xi32>
      %get3A_47 = arith.constant 2 : i32
      %get3A_48 = arith.index_cast %get3A_47 : i32 to index
      %get3A_49 = arith.constant 0 : index
      %get3A_50 = tpu.vector_load %arg10[%get3A_48, %get3A_49] {strides = array<i32>} : memref<4x128xi32, #tpu.memory_space<vmem>>, vector<1x16xi32>,
      %get3A_51 = vector.shape_cast %get3A_50 : vector<1x16xi32> to vector<16xi32>
      %add3A_52 = arith.addi %mul3A_46, %get3A_51 : vector<16xi32>
      %swap3A = arith.constant 0 : index
      %swap3A_53 = tpu.vector_load %arg11[%swap3A] {strides = array<i32>} : memref<128xi32, #tpu.memory_space<vmem>>, vector<16xi32>,
      %swap3A_54 = vector.shape_cast %swap3A_53 : vector<16xi32> to vector<16xi32>
      %swap3A_55 = vector.shape_cast %add3A_52 : vector<16xi32> to vector<16xi32>
      tpu.vector_store %arg11[%swap3A], %swap3A_55 {strides = array<i32>} : memref<128xi32, #tpu.memory_space<vmem>>, vector<16xi32>,
      %mul3A_56 = arith.constant 8 : i32
      %mul3A_57 = vector.broadcast %mul3A_56 : i32 to vector<16xi32>
      %mul3A_58 = arith.muli %get3A_43, %mul3A_57 : vector<16xi32>
      %get3A_59 = arith.constant 3 : i32
      %get3A_60 = arith.index_cast %get3A_59 : i32 to index
      %get3A_61 = arith.constant 0 : index
      %get3A_62 = tpu.vector_load %arg10[%get3A_60, %get3A_61] {strides = array<i32>} : memref<4x128xi32, #tpu.memory_space<vmem>>, vector<1x16xi32>,
      %get3A_63 = vector.shape_cast %get3A_62 : vector<1x16xi32> to vector<16xi32>
      %add3A_64 = arith.addi %mul3A_58, %get3A_63 : vector<16xi32>
      %swap3A_65 = arith.constant 0 : index
      %swap3A_66 = tpu.vector_load %arg12[%swap3A_65] {strides = array<i32>} : memref<128xi32, #tpu.memory_space<vmem>>, vector<16xi32>,
      %swap3A_67 = vector.shape_cast %swap3A_66 : vector<16xi32> to vector<16xi32>
      %swap3A_68 = vector.shape_cast %add3A_64 : vector<16xi32> to vector<16xi32>
      tpu.vector_store %arg12[%swap3A_65], %swap3A_68 {strides = array<i32>} : memref<128xi32, #tpu.memory_space<vmem>>, vector<16xi32>,
      %get3A_69 = arith.constant 1 : i32
      %get3A_70 = arith.index_cast %get3A_69 : i32 to index
      %get3A_71 = arith.constant 16 : index
      %get3A_72 = tpu.vector_load %arg10[%get3A_70, %get3A_71] {strides = array<i32>} : memref<4x128xi32, #tpu.memory_space<vmem>>, vector<1x16xi32>,
      %get3A_73 = vector.shape_cast %get3A_72 : vector<1x16xi32> to vector<16xi32>
      %mul3A_74 = arith.constant 8 : i32
      %mul3A_75 = vector.broadcast %mul3A_74 : i32 to vector<16xi32>
      %mul3A_76 = arith.muli %get3A_73, %mul3A_75 : vector<16xi32>
      %get3A_77 = arith.constant 2 : i32
      %get3A_78 = arith.index_cast %get3A_77 : i32 to index
      %get3A_79 = arith.constant 16 : index
      %get3A_80 = tpu.vector_load %arg10[%get3A_78, %get3A_79] {strides = array<i32>} : memref<4x128xi32, #tpu.memory_space<vmem>>, vector<1x16xi32>,
      %get3A_81 = vector.shape_cast %get3A_80 : vector<1x16xi32> to vector<16xi32>
      %add3A_82 = arith.addi %mul3A_76, %get3A_81 : vector<16xi32>
      %swap3A_83 = arith.constant 16 : index
      %swap3A_84 = tpu.vector_load %arg11[%swap3A_83] {strides = array<i32>} : memref<128xi32, #tpu.memory_space<vmem>>, vector<16xi32>,
      %swap3A_85 = vector.shape_cast %swap3A_84 : vector<16xi32> to vector<16xi32>
      %swap3A_86 = vector.shape_cast %add3A_82 : vector<16xi32> to vector<16xi32>
      tpu.vector_store %arg11[%swap3A_83], %swap3A_86 {strides = array<i32>} : memref<128xi32, #tpu.memory_space<vmem>>, vector<16xi32>,
      %mul3A_87 = arith.constant 8 : i32
      %mul3A_88 = vector.broadcast %mul3A_87 : i32 to vector<16xi32>
      %mul3A_89 = arith.muli %get3A_73, %mul3A_88 : vector<16xi32>
      %get3A_90 = arith.constant 3 : i32
      %get3A_91 = arith.index_cast %get3A_90 : i32 to index
      %get3A_92 = arith.constant 16 : index
      %get3A_93 = tpu.vector_load %arg10[%get3A_91, %get3A_92] {strides = array<i32>} : memref<4x128xi32, #tpu.memory_space<vmem>>, vector<1x16xi32>,
      %get3A_94 = vector.shape_cast %get3A_93 : vector<1x16xi32> to vector<16xi32>
      %add3A_95 = arith.addi %mul3A_89, %get3A_94 : vector<16xi32>
      %swap3A_96 = arith.constant 16 : index
      %swap3A_97 = tpu.vector_load %arg12[%swap3A_96] {strides = array<i32>} : memref<128xi32, #tpu.memory_space<vmem>>, vector<16xi32>,
      %swap3A_98 = vector.shape_cast %swap3A_97 : vector<16xi32> to vector<16xi32>
      %swap3A_99 = vector.shape_cast %add3A_95 : vector<16xi32> to vector<16xi32>
      tpu.vector_store %arg12[%swap3A_96], %swap3A_99 {strides = array<i32>} : memref<128xi32, #tpu.memory_space<vmem>>, vector<16xi32>,
      %get3A_100 = arith.constant 1 : i32
      %get3A_101 = arith.index_cast %get3A_100 : i32 to index
      %get3A_102 = arith.constant 32 : index
      %get3A_103 = tpu.vector_load %arg10[%get3A_101, %get3A_102] {strides = array<i32>} : memref<4x128xi32, #tpu.memory_space<vmem>>, vector<1x16xi32>,
      %get3A_104 = vector.shape_cast %get3A_103 : vector<1x16xi32> to vector<16xi32>
      %mul3A_105 = arith.constant 8 : i32
      %mul3A_106 = vector.broadcast %mul3A_105 : i32 to vector<16xi32>
      %mul3A_107 = arith.muli %get3A_104, %mul3A_106 : vector<16xi32>
      %get3A_108 = arith.constant 2 : i32
      %get3A_109 = arith.index_cast %get3A_108 : i32 to index
      %get3A_110 = arith.constant 32 : index
      %get3A_111 = tpu.vector_load %arg10[%get3A_109, %get3A_110] {strides = array<i32>} : memref<4x128xi32, #tpu.memory_space<vmem>>, vector<1x16xi32>,
      %get3A_112 = vector.shape_cast %get3A_111 : vector<1x16xi32> to vector<16xi32>
      %add3A_113 = arith.addi %mul3A_107, %get3A_112 : vector<16xi32>
      %swap3A_114 = arith.constant 32 : index
      %swap3A_115 = tpu.vector_load %arg11[%swap3A_114] {strides = array<i32>} : memref<128xi32, #tpu.memory_space<vmem>>, vector<16xi32>,
      %swap3A_116 = vector.shape_cast %swap3A_115 : vector<16xi32> to vector<16xi32>
      %swap3A_117 = vector.shape_cast %add3A_113 : vector<16xi32> to vector<16xi32>
      tpu.vector_store %arg11[%swap3A_114], %swap3A_117 {strides = array<i32>} : memref<128xi32, #tpu.memory_space<vmem>>, vector<16xi32>,
      %mul3A_118 = arith.constant 8 : i32
      %mul3A_119 = vector.broadcast %mul3A_118 : i32 to vector<16xi32>
      %mul3A_120 = arith.muli %get3A_104, %mul3A_119 : vector<16xi32>
      %get3A_121 = arith.constant 3 : i32
      %get3A_122 = arith.index_cast %get3A_121 : i32 to index
      %get3A_123 = arith.constant 32 : index
      %get3A_124 = tpu.vector_load %arg10[%get3A_122, %get3A_123] {strides = array<i32>} : memref<4x128xi32, #tpu.memory_space<vmem>>, vector<1x16xi32>,
      %get3A_125 = vector.shape_cast %get3A_124 : vector<1x16xi32> to vector<16xi32>
      %add3A_126 = arith.addi %mul3A_120, %get3A_125 : vector<16xi32>
      %swap3A_127 = arith.constant 32 : index
      %swap3A_128 = tpu.vector_load %arg12[%swap3A_127] {strides = array<i32>} : memref<128xi32, #tpu.memory_space<vmem>>, vector<16xi32>,
      %swap3A_129 = vector.shape_cast %swap3A_128 : vector<16xi32> to vector<16xi32>
      %swap3A_130 = vector.shape_cast %add3A_126 : vector<16xi32> to vector<16xi32>
      tpu.vector_store %arg12[%swap3A_127], %swap3A_130 {strides = array<i32>} : memref<128xi32, #tpu.memory_space<vmem>>, vector<16xi32>,
      %get3A_131 = arith.constant 1 : i32
      %get3A_132 = arith.index_cast %get3A_131 : i32 to index
      %get3A_133 = arith.constant 48 : index
      %get3A_134 = tpu.vector_load %arg10[%get3A_132, %get3A_133] {strides = array<i32>} : memref<4x128xi32, #tpu.memory_space<vmem>>, vector<1x16xi32>,
      %get3A_135 = vector.shape_cast %get3A_134 : vector<1x16xi32> to vector<16xi32>
      %mul3A_136 = arith.constant 8 : i32
      %mul3A_137 = vector.broadcast %mul3A_136 : i32 to vector<16xi32>
      %mul3A_138 = arith.muli %get3A_135, %mul3A_137 : vector<16xi32>
      %get3A_139 = arith.constant 2 : i32
      %get3A_140 = arith.index_cast %get3A_139 : i32 to index
      %get3A_141 = arith.constant 48 : index
      %get3A_142 = tpu.vector_load %arg10[%get3A_140, %get3A_141] {strides = array<i32>} : memref<4x128xi32, #tpu.memory_space<vmem>>, vector<1x16xi32>,
      %get3A_143 = vector.shape_cast %get3A_142 : vector<1x16xi32> to vector<16xi32>
      %add3A_144 = arith.addi %mul3A_138, %get3A_143 : vector<16xi32>
      %swap3A_145 = arith.constant 48 : index
      %swap3A_146 = tpu.vector_load %arg11[%swap3A_145] {strides = array<i32>} : memref<128xi32, #tpu.memory_space<vmem>>, vector<16xi32>,
      %swap3A_147 = vector.shape_cast %swap3A_146 : vector<16xi32> to vector<16xi32>
      %swap3A_148 = vector.shape_cast %add3A_144 : vector<16xi32> to vector<16xi32>
      tpu.vector_store %arg11[%swap3A_145], %swap3A_148 {strides = array<i32>} : memref<128xi32, #tpu.memory_space<vmem>>, vector<16xi32>,
      %mul3A_149 = arith.constant 8 : i32
      %mul3A_150 = vector.broadcast %mul3A_149 : i32 to vector<16xi32>
      %mul3A_151 = arith.muli %get3A_135, %mul3A_150 : vector<16xi32>
      %get3A_152 = arith.constant 3 : i32
      %get3A_153 = arith.index_cast %get3A_152 : i32 to index
      %get3A_154 = arith.constant 48 : index
      %get3A_155 = tpu.vector_load %arg10[%get3A_153, %get3A_154] {strides = array<i32>} : memref<4x128xi32, #tpu.memory_space<vmem>>, vector<1x16xi32>,
      %get3A_156 = vector.shape_cast %get3A_155 : vector<1x16xi32> to vector<16xi32>
      %add3A_157 = arith.addi %mul3A_151, %get3A_156 : vector<16xi32>
      %swap3A_158 = arith.constant 48 : index
      %swap3A_159 = tpu.vector_load %arg12[%swap3A_158] {strides = array<i32>} : memref<128xi32, #tpu.memory_space<vmem>>, vector<16xi32>,
      %swap3A_160 = vector.shape_cast %swap3A_159 : vector<16xi32> to vector<16xi32>
      %swap3A_161 = vector.shape_cast %add3A_157 : vector<16xi32> to vector<16xi32>
      tpu.vector_store %arg12[%swap3A_158], %swap3A_161 {strides = array<i32>} : memref<128xi32, #tpu.memory_space<vmem>>, vector<16xi32>,
      %get3A_162 = arith.constant 1 : i32
      %get3A_163 = arith.index_cast %get3A_162 : i32 to index
      %get3A_164 = arith.constant 64 : index
      %get3A_165 = tpu.vector_load %arg10[%get3A_163, %get3A_164] {strides = array<i32>} : memref<4x128xi32, #tpu.memory_space<vmem>>, vector<1x16xi32>,
      %get3A_166 = vector.shape_cast %get3A_165 : vector<1x16xi32> to vector<16xi32>
      %mul3A_167 = arith.constant 8 : i32
      %mul3A_168 = vector.broadcast %mul3A_167 : i32 to vector<16xi32>
      %mul3A_169 = arith.muli %get3A_166, %mul3A_168 : vector<16xi32>
      %get3A_170 = arith.constant 2 : i32
      %get3A_171 = arith.index_cast %get3A_170 : i32 to index
      %get3A_172 = arith.constant 64 : index
      %get3A_173 = tpu.vector_load %arg10[%get3A_171, %get3A_172] {strides = array<i32>} : memref<4x128xi32, #tpu.memory_space<vmem>>, vector<1x16xi32>,
      %get3A_174 = vector.shape_cast %get3A_173 : vector<1x16xi32> to vector<16xi32>
      %add3A_175 = arith.addi %mul3A_169, %get3A_174 : vector<16xi32>
      %swap3A_176 = arith.constant 64 : index
      %swap3A_177 = tpu.vector_load %arg11[%swap3A_176] {strides = array<i32>} : memref<128xi32, #tpu.memory_space<vmem>>, vector<16xi32>,
      %swap3A_178 = vector.shape_cast %swap3A_177 : vector<16xi32> to vector<16xi32>
      %swap3A_179 = vector.shape_cast %add3A_175 : vector<16xi32> to vector<16xi32>
      tpu.vector_store %arg11[%swap3A_176], %swap3A_179 {strides = array<i32>} : memref<128xi32, #tpu.memory_space<vmem>>, vector<16xi32>,
      %mul3A_180 = arith.constant 8 : i32
      %mul3A_181 = vector.broadcast %mul3A_180 : i32 to vector<16xi32>
      %mul3A_182 = arith.muli %get3A_166, %mul3A_181 : vector<16xi32>
      %get3A_183 = arith.constant 3 : i32
      %get3A_184 = arith.index_cast %get3A_183 : i32 to index
      %get3A_185 = arith.constant 64 : index
      %get3A_186 = tpu.vector_load %arg10[%get3A_184, %get3A_185] {strides = array<i32>} : memref<4x128xi32, #tpu.memory_space<vmem>>, vector<1x16xi32>,
      %get3A_187 = vector.shape_cast %get3A_186 : vector<1x16xi32> to vector<16xi32>
      %add3A_188 = arith.addi %mul3A_182, %get3A_187 : vector<16xi32>
      %swap3A_189 = arith.constant 64 : index
      %swap3A_190 = tpu.vector_load %arg12[%swap3A_189] {strides = array<i32>} : memref<128xi32, #tpu.memory_space<vmem>>, vector<16xi32>,
      %swap3A_191 = vector.shape_cast %swap3A_190 : vector<16xi32> to vector<16xi32>
      %swap3A_192 = vector.shape_cast %add3A_188 : vector<16xi32> to vector<16xi32>
      tpu.vector_store %arg12[%swap3A_189], %swap3A_192 {strides = array<i32>} : memref<128xi32, #tpu.memory_space<vmem>>, vector<16xi32>,
      %get3A_193 = arith.constant 1 : i32
      %get3A_194 = arith.index_cast %get3A_193 : i32 to index
      %get3A_195 = arith.constant 80 : index
      %get3A_196 = tpu.vector_load %arg10[%get3A_194, %get3A_195] {strides = array<i32>} : memref<4x128xi32, #tpu.memory_space<vmem>>, vector<1x16xi32>,
      %get3A_197 = vector.shape_cast %get3A_196 : vector<1x16xi32> to vector<16xi32>
      %mul3A_198 = arith.constant 8 : i32
      %mul3A_199 = vector.broadcast %mul3A_198 : i32 to vector<16xi32>
      %mul3A_200 = arith.muli %get3A_197, %mul3A_199 : vector<16xi32>
      %get3A_201 = arith.constant 2 : i32
      %get3A_202 = arith.index_cast %get3A_201 : i32 to index
      %get3A_203 = arith.constant 80 : index
      %get3A_204 = tpu.vector_load %arg10[%get3A_202, %get3A_203] {strides = array<i32>} : memref<4x128xi32, #tpu.memory_space<vmem>>, vector<1x16xi32>,
      %get3A_205 = vector.shape_cast %get3A_204 : vector<1x16xi32> to vector<16xi32>
      %add3A_206 = arith.addi %mul3A_200, %get3A_205 : vector<16xi32>
      %swap3A_207 = arith.constant 80 : index
      %swap3A_208 = tpu.vector_load %arg11[%swap3A_207] {strides = array<i32>} : memref<128xi32, #tpu.memory_space<vmem>>, vector<16xi32>,
      %swap3A_209 = vector.shape_cast %swap3A_208 : vector<16xi32> to vector<16xi32>
      %swap3A_210 = vector.shape_cast %add3A_206 : vector<16xi32> to vector<16xi32>
      tpu.vector_store %arg11[%swap3A_207], %swap3A_210 {strides = array<i32>} : memref<128xi32, #tpu.memory_space<vmem>>, vector<16xi32>,
      %mul3A_211 = arith.constant 8 : i32
      %mul3A_212 = vector.broadcast %mul3A_211 : i32 to vector<16xi32>
      %mul3A_213 = arith.muli %get3A_197, %mul3A_212 : vector<16xi32>
      %get3A_214 = arith.constant 3 : i32
      %get3A_215 = arith.index_cast %get3A_214 : i32 to index
      %get3A_216 = arith.constant 80 : index
      %get3A_217 = tpu.vector_load %arg10[%get3A_215, %get3A_216] {strides = array<i32>} : memref<4x128xi32, #tpu.memory_space<vmem>>, vector<1x16xi32>,
      %get3A_218 = vector.shape_cast %get3A_217 : vector<1x16xi32> to vector<16xi32>
      %add3A_219 = arith.addi %mul3A_213, %get3A_218 : vector<16xi32>
      %swap3A_220 = arith.constant 80 : index
      %swap3A_221 = tpu.vector_load %arg12[%swap3A_220] {strides = array<i32>} : memref<128xi32, #tpu.memory_space<vmem>>, vector<16xi32>,
      %swap3A_222 = vector.shape_cast %swap3A_221 : vector<16xi32> to vector<16xi32>
      %swap3A_223 = vector.shape_cast %add3A_219 : vector<16xi32> to vector<16xi32>
      tpu.vector_store %arg12[%swap3A_220], %swap3A_223 {strides = array<i32>} : memref<128xi32, #tpu.memory_space<vmem>>, vector<16xi32>,
      %get3A_224 = arith.constant 1 : i32
      %get3A_225 = arith.index_cast %get3A_224 : i32 to index
      %get3A_226 = arith.constant 96 : index
      %get3A_227 = tpu.vector_load %arg10[%get3A_225, %get3A_226] {strides = array<i32>} : memref<4x128xi32, #tpu.memory_space<vmem>>, vector<1x16xi32>,
      %get3A_228 = vector.shape_cast %get3A_227 : vector<1x16xi32> to vector<16xi32>
      %mul3A_229 = arith.constant 8 : i32
      %mul3A_230 = vector.broadcast %mul3A_229 : i32 to vector<16xi32>
      %mul3A_231 = arith.muli %get3A_228, %mul3A_230 : vector<16xi32>
      %get3A_232 = arith.constant 2 : i32
      %get3A_233 = arith.index_cast %get3A_232 : i32 to index
      %get3A_234 = arith.constant 96 : index
      %get3A_235 = tpu.vector_load %arg10[%get3A_233, %get3A_234] {strides = array<i32>} : memref<4x128xi32, #tpu.memory_space<vmem>>, vector<1x16xi32>,
      %get3A_236 = vector.shape_cast %get3A_235 : vector<1x16xi32> to vector<16xi32>
      %add3A_237 = arith.addi %mul3A_231, %get3A_236 : vector<16xi32>
      %swap3A_238 = arith.constant 96 : index
      %swap3A_239 = tpu.vector_load %arg11[%swap3A_238] {strides = array<i32>} : memref<128xi32, #tpu.memory_space<vmem>>, vector<16xi32>,
      %swap3A_240 = vector.shape_cast %swap3A_239 : vector<16xi32> to vector<16xi32>
      %swap3A_241 = vector.shape_cast %add3A_237 : vector<16xi32> to vector<16xi32>
      tpu.vector_store %arg11[%swap3A_238], %swap3A_241 {strides = array<i32>} : memref<128xi32, #tpu.memory_space<vmem>>, vector<16xi32>,
      %mul3A_242 = arith.constant 8 : i32
      %mul3A_243 = vector.broadcast %mul3A_242 : i32 to vector<16xi32>
      %mul3A_244 = arith.muli %get3A_228, %mul3A_243 : vector<16xi32>
      %get3A_245 = arith.constant 3 : i32
      %get3A_246 = arith.index_cast %get3A_245 : i32 to index
      %get3A_247 = arith.constant 96 : index
      %get3A_248 = tpu.vector_load %arg10[%get3A_246, %get3A_247] {strides = array<i32>} : memref<4x128xi32, #tpu.memory_space<vmem>>, vector<1x16xi32>,
      %get3A_249 = vector.shape_cast %get3A_248 : vector<1x16xi32> to vector<16xi32>
      %add3A_250 = arith.addi %mul3A_244, %get3A_249 : vector<16xi32>
      %swap3A_251 = arith.constant 96 : index
      %swap3A_252 = tpu.vector_load %arg12[%swap3A_251] {strides = array<i32>} : memref<128xi32, #tpu.memory_space<vmem>>, vector<16xi32>,
      %swap3A_253 = vector.shape_cast %swap3A_252 : vector<16xi32> to vector<16xi32>
      %swap3A_254 = vector.shape_cast %add3A_250 : vector<16xi32> to vector<16xi32>
      tpu.vector_store %arg12[%swap3A_251], %swap3A_254 {strides = array<i32>} : memref<128xi32, #tpu.memory_space<vmem>>, vector<16xi32>,
      %get3A_255 = arith.constant 1 : i32
      %get3A_256 = arith.index_cast %get3A_255 : i32 to index
      %get3A_257 = arith.constant 112 : index
      %get3A_258 = tpu.vector_load %arg10[%get3A_256, %get3A_257] {strides = array<i32>} : memref<4x128xi32, #tpu.memory_space<vmem>>, vector<1x16xi32>,
      %get3A_259 = vector.shape_cast %get3A_258 : vector<1x16xi32> to vector<16xi32>
      %mul3A_260 = arith.constant 8 : i32
      %mul3A_261 = vector.broadcast %mul3A_260 : i32 to vector<16xi32>
      %mul3A_262 = arith.muli %get3A_259, %mul3A_261 : vector<16xi32>
      %get3A_263 = arith.constant 2 : i32
      %get3A_264 = arith.index_cast %get3A_263 : i32 to index
      %get3A_265 = arith.constant 112 : index
      %get3A_266 = tpu.vector_load %arg10[%get3A_264, %get3A_265] {strides = array<i32>} : memref<4x128xi32, #tpu.memory_space<vmem>>, vector<1x16xi32>,
      %get3A_267 = vector.shape_cast %get3A_266 : vector<1x16xi32> to vector<16xi32>
      %add3A_268 = arith.addi %mul3A_262, %get3A_267 : vector<16xi32>
      %swap3A_269 = arith.constant 112 : index
      %swap3A_270 = tpu.vector_load %arg11[%swap3A_269] {strides = array<i32>} : memref<128xi32, #tpu.memory_space<vmem>>, vector<16xi32>,
      %swap3A_271 = vector.shape_cast %swap3A_270 : vector<16xi32> to vector<16xi32>
      %swap3A_272 = vector.shape_cast %add3A_268 : vector<16xi32> to vector<16xi32>
      tpu.vector_store %arg11[%swap3A_269], %swap3A_272 {strides = array<i32>} : memref<128xi32, #tpu.memory_space<vmem>>, vector<16xi32>,
      %mul3A_273 = arith.constant 8 : i32
      %mul3A_274 = vector.broadcast %mul3A_273 : i32 to vector<16xi32>
      %mul3A_275 = arith.muli %get3A_259, %mul3A_274 : vector<16xi32>
      %get3A_276 = arith.constant 3 : i32
      %get3A_277 = arith.index_cast %get3A_276 : i32 to index
      %get3A_278 = arith.constant 112 : index
      %get3A_279 = tpu.vector_load %arg10[%get3A_277, %get3A_278] {strides = array<i32>} : memref<4x128xi32, #tpu.memory_space<vmem>>, vector<1x16xi32>,
      %get3A_280 = vector.shape_cast %get3A_279 : vector<1x16xi32> to vector<16xi32>
      %add3A_281 = arith.addi %mul3A_275, %get3A_280 : vector<16xi32>
      %swap3A_282 = arith.constant 112 : index
      %swap3A_283 = tpu.vector_load %arg12[%swap3A_282] {strides = array<i32>} : memref<128xi32, #tpu.memory_space<vmem>>, vector<16xi32>,
      %swap3A_284 = vector.shape_cast %swap3A_283 : vector<16xi32> to vector<16xi32>
      %swap3A_285 = vector.shape_cast %add3A_281 : vector<16xi32> to vector<16xi32>
      tpu.vector_store %arg12[%swap3A_282], %swap3A_285 {strides = array<i32>} : memref<128xi32, #tpu.memory_space<vmem>>, vector<16xi32>,
      %run_scoped3A_286 = arith.constant 1 : i32
      "tpu.region"() ({
        %run_scoped3A_287 = tpu.sem_alloc : memref<!tpu.dma_semaphore, #tpu.memory_space<semaphore_mem>>
        %dma_start3A = arith.constant 0 : i32
        %dma_start3A_288 = tpu.memref_slice %arg10[%run_scoped3A_286, %dma_start3A] : memref<4x128xi32, #tpu.memory_space<vmem>> -> memref<1x128xi32, #tpu.memory_space<vmem>>
        %dma_start3A_289 = tpu.memref_squeeze %dma_start3A_288 : memref<1x128xi32, #tpu.memory_space<vmem>> -> memref<128xi32, #tpu.memory_space<vmem>>
        %dma_start3A_290 = arith.constant 0 : i32
        %dma_start3A_291 = arith.constant 0 : i32
        %dma_start3A_292 = tpu.memref_slice %arg15[%dma_start3A_290, %dma_start3A_291] : memref<10240x128xf32, #tpu.memory_space<vmem_shared>> -> memref<10240x128xf32, #tpu.memory_space<vmem_shared>>
        tpu.enqueue_indirect_dma source(%arg13 : memref<128x128xf32, #tpu.memory_space<vmem>>) target(%dma_start3A_292 : memref<10240x128xf32, #tpu.memory_space<vmem_shared>>) offsets(%dma_start3A_289 : memref<128xi32, #tpu.memory_space<vmem>>) semaphore(%run_scoped3A_287 : memref<!tpu.dma_semaphore, #tpu.memory_space<semaphore_mem>>) {add = true}
        %dma_wait3A = arith.constant 0 : i32
        %dma_wait3A_293 = tpu.memref_slice %arg10[%run_scoped3A_286, %dma_wait3A] : memref<4x128xi32, #tpu.memory_space<vmem>> -> memref<1x128xi32, #tpu.memory_space<vmem>>
        %dma_wait3A_294 = tpu.memref_squeeze %dma_wait3A_293 : memref<1x128xi32, #tpu.memory_space<vmem>> -> memref<128xi32, #tpu.memory_space<vmem>>
        %dma_wait3A_295 = arith.constant 0 : i32
        %dma_wait3A_296 = arith.constant 0 : i32
        %dma_wait3A_297 = tpu.memref_slice %arg15[%dma_wait3A_295, %dma_wait3A_296] : memref<10240x128xf32, #tpu.memory_space<vmem_shared>> -> memref<10240x128xf32, #tpu.memory_space<vmem_shared>>
        tpu.wait_indirect_dma semaphore(%run_scoped3A_287 : memref<!tpu.dma_semaphore, #tpu.memory_space<semaphore_mem>>) src(%arg13 : memref<128x128xf32, #tpu.memory_space<vmem>>) dst(%dma_wait3A_297 : memref<10240x128xf32, #tpu.memory_space<vmem_shared>>)
        tpu.yield
      }) : () -> ()
      "tpu.region"() ({
        %run_scoped3A_287 = tpu.sem_alloc : memref<!tpu.dma_semaphore, #tpu.memory_space<semaphore_mem>>
        %dma_start3A = arith.constant 0 : i32
        %dma_start3A_288 = tpu.memref_slice %arg16[%dma_start3A] : memref<81920xf32, #tpu.memory_space<vmem_shared>> -> memref<81920xf32, #tpu.memory_space<vmem_shared>>
        tpu.enqueue_indirect_dma source(%arg14 : memref<128xf32, #tpu.memory_space<vmem>>) target(%dma_start3A_288 : memref<81920xf32, #tpu.memory_space<vmem_shared>>) offsets(%arg11 : memref<128xi32, #tpu.memory_space<vmem>>) semaphore(%run_scoped3A_287 : memref<!tpu.dma_semaphore, #tpu.memory_space<semaphore_mem>>) {add = true}
        %dma_wait3A = arith.constant 0 : i32
        %dma_wait3A_289 = tpu.memref_slice %arg16[%dma_wait3A] : memref<81920xf32, #tpu.memory_space<vmem_shared>> -> memref<81920xf32, #tpu.memory_space<vmem_shared>>
        tpu.wait_indirect_dma semaphore(%run_scoped3A_287 : memref<!tpu.dma_semaphore, #tpu.memory_space<semaphore_mem>>) src(%arg14 : memref<128xf32, #tpu.memory_space<vmem>>) dst(%dma_wait3A_289 : memref<81920xf32, #tpu.memory_space<vmem_shared>>)
        tpu.yield
      }) : () -> ()
      "tpu.region"() ({
        %run_scoped3A_287 = tpu.sem_alloc : memref<!tpu.dma_semaphore, #tpu.memory_space<semaphore_mem>>
        %dma_start3A = arith.constant 0 : i32
        %dma_start3A_288 = tpu.memref_slice %arg17[%dma_start3A] : memref<81920xf32, #tpu.memory_space<vmem_shared>> -> memref<81920xf32, #tpu.memory_space<vmem_shared>>
        tpu.enqueue_indirect_dma source(%arg14 : memref<128xf32, #tpu.memory_space<vmem>>) target(%dma_start3A_288 : memref<81920xf32, #tpu.memory_space<vmem_shared>>) offsets(%arg12 : memref<128xi32, #tpu.memory_space<vmem>>) semaphore(%run_scoped3A_287 : memref<!tpu.dma_semaphore, #tpu.memory_space<semaphore_mem>>) {add = true}
        %dma_wait3A = arith.constant 0 : i32
        %dma_wait3A_289 = tpu.memref_slice %arg17[%dma_wait3A] : memref<81920xf32, #tpu.memory_space<vmem_shared>> -> memref<81920xf32, #tpu.memory_space<vmem_shared>>
        tpu.wait_indirect_dma semaphore(%run_scoped3A_287 : memref<!tpu.dma_semaphore, #tpu.memory_space<semaphore_mem>>) src(%arg14 : memref<128xf32, #tpu.memory_space<vmem>>) dst(%dma_wait3A_289 : memref<81920xf32, #tpu.memory_space<vmem_shared>>)
        tpu.yield
      }) : () -> ()
    }
    %while3A_30 = arith.constant 1 : i32
    scf.for %while3A_36 = %while3A_28 to %while3A_24 step %while3A_30  : i32 {
      %mul3A_37 = arith.muli %while3A_36, %while3A : i32
      %add3A_38 = arith.addi %while3A_21, %mul3A_37 : i32
      %add3A_39 = arith.addi %select_n3A_14, %add3A_38 : i32
      "tpu.region"() ({
        %run_scoped3A_287 = tpu.sem_alloc : memref<!tpu.dma_semaphore, #tpu.memory_space<semaphore_mem>>
        %dma_start3A = arith.constant 0 : i32
        %dma_start3A_288 = arith.constant 0 : i32
        %dma_start3A_289 = tpu.memref_slice %arg2[%add3A_39, %dma_start3A, %dma_start3A_288] : memref<2528x4x128xi32, #tpu.memory_space<hbm>> -> memref<1x4x128xi32, #tpu.memory_space<hbm>>
        %dma_start3A_290 = tpu.memref_squeeze %dma_start3A_289 : memref<1x4x128xi32, #tpu.memory_space<hbm>> -> memref<4x128xi32, #tpu.memory_space<hbm>>
        %dma_start3A_291 = arith.constant 0 : i32
        %dma_start3A_292 = arith.constant 0 : i32
        %dma_start3A_293 = tpu.memref_slice %arg2[%add3A_39, %dma_start3A_291, %dma_start3A_292] : memref<2528x4x128xi32, #tpu.memory_space<hbm>> -> memref<1x4x128xi32, #tpu.memory_space<hbm>>
        %dma_start3A_294 = tpu.memref_squeeze %dma_start3A_293 : memref<1x4x128xi32, #tpu.memory_space<hbm>> -> memref<4x128xi32, #tpu.memory_space<hbm>>
        tpu.enqueue_dma source(%dma_start3A_294 : memref<4x128xi32, #tpu.memory_space<hbm>>) target(%arg10 : memref<4x128xi32, #tpu.memory_space<vmem>>) target_semaphore(%run_scoped3A_287 : memref<!tpu.dma_semaphore, #tpu.memory_space<semaphore_mem>>)
        %dma_wait3A = arith.constant 0 : i32
        %dma_wait3A_295 = arith.constant 0 : i32
        %dma_wait3A_296 = tpu.memref_slice %arg2[%add3A_39, %dma_wait3A, %dma_wait3A_295] : memref<2528x4x128xi32, #tpu.memory_space<hbm>> -> memref<1x4x128xi32, #tpu.memory_space<hbm>>
        %dma_wait3A_297 = tpu.memref_squeeze %dma_wait3A_296 : memref<1x4x128xi32, #tpu.memory_space<hbm>> -> memref<4x128xi32, #tpu.memory_space<hbm>>
        %dma_wait3A_298 = arith.constant 0 : i32
        %dma_wait3A_299 = arith.constant 0 : i32
        %dma_wait3A_300 = tpu.memref_slice %arg2[%add3A_39, %dma_wait3A_298, %dma_wait3A_299] : memref<2528x4x128xi32, #tpu.memory_space<hbm>> -> memref<1x4x128xi32, #tpu.memory_space<hbm>>
        %dma_wait3A_301 = tpu.memref_squeeze %dma_wait3A_300 : memref<1x4x128xi32, #tpu.memory_space<hbm>> -> memref<4x128xi32, #tpu.memory_space<hbm>>
        tpu.wait_dma2 semaphore(%run_scoped3A_287 : memref<!tpu.dma_semaphore, #tpu.memory_space<semaphore_mem>>) src(%dma_wait3A_301 : memref<4x128xi32, #tpu.memory_space<hbm>>) dst(%arg10 : memref<4x128xi32, #tpu.memory_space<vmem>>)
        tpu.yield
      }) : () -> ()
      %run_scoped3A = arith.constant 0 : i32
      "tpu.region"() ({
        %run_scoped3A_287 = tpu.sem_alloc : memref<!tpu.dma_semaphore, #tpu.memory_space<semaphore_mem>>
        %dma_start3A = arith.constant 0 : i32
        %dma_start3A_288 = tpu.memref_slice %arg10[%run_scoped3A, %dma_start3A] : memref<4x128xi32, #tpu.memory_space<vmem>> -> memref<1x128xi32, #tpu.memory_space<vmem>>
        %dma_start3A_289 = tpu.memref_squeeze %dma_start3A_288 : memref<1x128xi32, #tpu.memory_space<vmem>> -> memref<128xi32, #tpu.memory_space<vmem>>
        %dma_start3A_290 = arith.constant 0 : i32
        %dma_start3A_291 = arith.constant 0 : i32
        %dma_start3A_292 = tpu.memref_slice %arg3[%dma_start3A_290, %dma_start3A_291] : memref<10000x128xf32, #tpu.memory_space<hbm>> -> memref<10000x128xf32, #tpu.memory_space<hbm>>
        tpu.enqueue_indirect_dma source(%dma_start3A_292 : memref<10000x128xf32, #tpu.memory_space<hbm>>) target(%arg13 : memref<128x128xf32, #tpu.memory_space<vmem>>) offsets(%dma_start3A_289 : memref<128xi32, #tpu.memory_space<vmem>>) semaphore(%run_scoped3A_287 : memref<!tpu.dma_semaphore, #tpu.memory_space<semaphore_mem>>)
        %dma_wait3A = arith.constant 0 : i32
        %dma_wait3A_293 = tpu.memref_slice %arg10[%run_scoped3A, %dma_wait3A] : memref<4x128xi32, #tpu.memory_space<vmem>> -> memref<1x128xi32, #tpu.memory_space<vmem>>
        %dma_wait3A_294 = tpu.memref_squeeze %dma_wait3A_293 : memref<1x128xi32, #tpu.memory_space<vmem>> -> memref<128xi32, #tpu.memory_space<vmem>>
        %dma_wait3A_295 = arith.constant 0 : i32
        %dma_wait3A_296 = arith.constant 0 : i32
        %dma_wait3A_297 = tpu.memref_slice %arg3[%dma_wait3A_295, %dma_wait3A_296] : memref<10000x128xf32, #tpu.memory_space<hbm>> -> memref<10000x128xf32, #tpu.memory_space<hbm>>
        tpu.wait_indirect_dma semaphore(%run_scoped3A_287 : memref<!tpu.dma_semaphore, #tpu.memory_space<semaphore_mem>>) src(%dma_wait3A_297 : memref<10000x128xf32, #tpu.memory_space<hbm>>) dst(%arg13 : memref<128x128xf32, #tpu.memory_space<vmem>>)
        tpu.yield
      }) : () -> ()
      %get3A = arith.constant 1 : i32
      %get3A_40 = arith.index_cast %get3A : i32 to index
      %get3A_41 = arith.constant 0 : index
      %get3A_42 = tpu.vector_load %arg10[%get3A_40, %get3A_41] {strides = array<i32>} : memref<4x128xi32, #tpu.memory_space<vmem>>, vector<1x16xi32>,
      %get3A_43 = vector.shape_cast %get3A_42 : vector<1x16xi32> to vector<16xi32>
      %mul3A_44 = arith.constant 8 : i32
      %mul3A_45 = vector.broadcast %mul3A_44 : i32 to vector<16xi32>
      %mul3A_46 = arith.muli %get3A_43, %mul3A_45 : vector<16xi32>
      %get3A_47 = arith.constant 2 : i32
      %get3A_48 = arith.index_cast %get3A_47 : i32 to index
      %get3A_49 = arith.constant 0 : index
      %get3A_50 = tpu.vector_load %arg10[%get3A_48, %get3A_49] {strides = array<i32>} : memref<4x128xi32, #tpu.memory_space<vmem>>, vector<1x16xi32>,
      %get3A_51 = vector.shape_cast %get3A_50 : vector<1x16xi32> to vector<16xi32>
      %add3A_52 = arith.addi %mul3A_46, %get3A_51 : vector<16xi32>
      %swap3A = arith.constant 0 : index
      %swap3A_53 = tpu.vector_load %arg11[%swap3A] {strides = array<i32>} : memref<128xi32, #tpu.memory_space<vmem>>, vector<16xi32>,
      %swap3A_54 = vector.shape_cast %swap3A_53 : vector<16xi32> to vector<16xi32>
      %swap3A_55 = vector.shape_cast %add3A_52 : vector<16xi32> to vector<16xi32>
      tpu.vector_store %arg11[%swap3A], %swap3A_55 {strides = array<i32>} : memref<128xi32, #tpu.memory_space<vmem>>, vector<16xi32>,
      %mul3A_56 = arith.constant 8 : i32
      %mul3A_57 = vector.broadcast %mul3A_56 : i32 to vector<16xi32>
      %mul3A_58 = arith.muli %get3A_43, %mul3A_57 : vector<16xi32>
      %get3A_59 = arith.constant 3 : i32
      %get3A_60 = arith.index_cast %get3A_59 : i32 to index
      %get3A_61 = arith.constant 0 : index
      %get3A_62 = tpu.vector_load %arg10[%get3A_60, %get3A_61] {strides = array<i32>} : memref<4x128xi32, #tpu.memory_space<vmem>>, vector<1x16xi32>,
      %get3A_63 = vector.shape_cast %get3A_62 : vector<1x16xi32> to vector<16xi32>
      %add3A_64 = arith.addi %mul3A_58, %get3A_63 : vector<16xi32>
      %swap3A_65 = arith.constant 0 : index
      %swap3A_66 = tpu.vector_load %arg12[%swap3A_65] {strides = array<i32>} : memref<128xi32, #tpu.memory_space<vmem>>, vector<16xi32>,
      %swap3A_67 = vector.shape_cast %swap3A_66 : vector<16xi32> to vector<16xi32>
      %swap3A_68 = vector.shape_cast %add3A_64 : vector<16xi32> to vector<16xi32>
      tpu.vector_store %arg12[%swap3A_65], %swap3A_68 {strides = array<i32>} : memref<128xi32, #tpu.memory_space<vmem>>, vector<16xi32>,
      %get3A_69 = arith.constant 1 : i32
      %get3A_70 = arith.index_cast %get3A_69 : i32 to index
      %get3A_71 = arith.constant 16 : index
      %get3A_72 = tpu.vector_load %arg10[%get3A_70, %get3A_71] {strides = array<i32>} : memref<4x128xi32, #tpu.memory_space<vmem>>, vector<1x16xi32>,
      %get3A_73 = vector.shape_cast %get3A_72 : vector<1x16xi32> to vector<16xi32>
      %mul3A_74 = arith.constant 8 : i32
      %mul3A_75 = vector.broadcast %mul3A_74 : i32 to vector<16xi32>
      %mul3A_76 = arith.muli %get3A_73, %mul3A_75 : vector<16xi32>
      %get3A_77 = arith.constant 2 : i32
      %get3A_78 = arith.index_cast %get3A_77 : i32 to index
      %get3A_79 = arith.constant 16 : index
      %get3A_80 = tpu.vector_load %arg10[%get3A_78, %get3A_79] {strides = array<i32>} : memref<4x128xi32, #tpu.memory_space<vmem>>, vector<1x16xi32>,
      %get3A_81 = vector.shape_cast %get3A_80 : vector<1x16xi32> to vector<16xi32>
      %add3A_82 = arith.addi %mul3A_76, %get3A_81 : vector<16xi32>
      %swap3A_83 = arith.constant 16 : index
      %swap3A_84 = tpu.vector_load %arg11[%swap3A_83] {strides = array<i32>} : memref<128xi32, #tpu.memory_space<vmem>>, vector<16xi32>,
      %swap3A_85 = vector.shape_cast %swap3A_84 : vector<16xi32> to vector<16xi32>
      %swap3A_86 = vector.shape_cast %add3A_82 : vector<16xi32> to vector<16xi32>
      tpu.vector_store %arg11[%swap3A_83], %swap3A_86 {strides = array<i32>} : memref<128xi32, #tpu.memory_space<vmem>>, vector<16xi32>,
      %mul3A_87 = arith.constant 8 : i32
      %mul3A_88 = vector.broadcast %mul3A_87 : i32 to vector<16xi32>
      %mul3A_89 = arith.muli %get3A_73, %mul3A_88 : vector<16xi32>
      %get3A_90 = arith.constant 3 : i32
      %get3A_91 = arith.index_cast %get3A_90 : i32 to index
      %get3A_92 = arith.constant 16 : index
      %get3A_93 = tpu.vector_load %arg10[%get3A_91, %get3A_92] {strides = array<i32>} : memref<4x128xi32, #tpu.memory_space<vmem>>, vector<1x16xi32>,
      %get3A_94 = vector.shape_cast %get3A_93 : vector<1x16xi32> to vector<16xi32>
      %add3A_95 = arith.addi %mul3A_89, %get3A_94 : vector<16xi32>
      %swap3A_96 = arith.constant 16 : index
      %swap3A_97 = tpu.vector_load %arg12[%swap3A_96] {strides = array<i32>} : memref<128xi32, #tpu.memory_space<vmem>>, vector<16xi32>,
      %swap3A_98 = vector.shape_cast %swap3A_97 : vector<16xi32> to vector<16xi32>
      %swap3A_99 = vector.shape_cast %add3A_95 : vector<16xi32> to vector<16xi32>
      tpu.vector_store %arg12[%swap3A_96], %swap3A_99 {strides = array<i32>} : memref<128xi32, #tpu.memory_space<vmem>>, vector<16xi32>,
      %get3A_100 = arith.constant 1 : i32
      %get3A_101 = arith.index_cast %get3A_100 : i32 to index
      %get3A_102 = arith.constant 32 : index
      %get3A_103 = tpu.vector_load %arg10[%get3A_101, %get3A_102] {strides = array<i32>} : memref<4x128xi32, #tpu.memory_space<vmem>>, vector<1x16xi32>,
      %get3A_104 = vector.shape_cast %get3A_103 : vector<1x16xi32> to vector<16xi32>
      %mul3A_105 = arith.constant 8 : i32
      %mul3A_106 = vector.broadcast %mul3A_105 : i32 to vector<16xi32>
      %mul3A_107 = arith.muli %get3A_104, %mul3A_106 : vector<16xi32>
      %get3A_108 = arith.constant 2 : i32
      %get3A_109 = arith.index_cast %get3A_108 : i32 to index
      %get3A_110 = arith.constant 32 : index
      %get3A_111 = tpu.vector_load %arg10[%get3A_109, %get3A_110] {strides = array<i32>} : memref<4x128xi32, #tpu.memory_space<vmem>>, vector<1x16xi32>,
      %get3A_112 = vector.shape_cast %get3A_111 : vector<1x16xi32> to vector<16xi32>
      %add3A_113 = arith.addi %mul3A_107, %get3A_112 : vector<16xi32>
      %swap3A_114 = arith.constant 32 : index
      %swap3A_115 = tpu.vector_load %arg11[%swap3A_114] {strides = array<i32>} : memref<128xi32, #tpu.memory_space<vmem>>, vector<16xi32>,
      %swap3A_116 = vector.shape_cast %swap3A_115 : vector<16xi32> to vector<16xi32>
      %swap3A_117 = vector.shape_cast %add3A_113 : vector<16xi32> to vector<16xi32>
      tpu.vector_store %arg11[%swap3A_114], %swap3A_117 {strides = array<i32>} : memref<128xi32, #tpu.memory_space<vmem>>, vector<16xi32>,
      %mul3A_118 = arith.constant 8 : i32
      %mul3A_119 = vector.broadcast %mul3A_118 : i32 to vector<16xi32>
      %mul3A_120 = arith.muli %get3A_104, %mul3A_119 : vector<16xi32>
      %get3A_121 = arith.constant 3 : i32
      %get3A_122 = arith.index_cast %get3A_121 : i32 to index
      %get3A_123 = arith.constant 32 : index
      %get3A_124 = tpu.vector_load %arg10[%get3A_122, %get3A_123] {strides = array<i32>} : memref<4x128xi32, #tpu.memory_space<vmem>>, vector<1x16xi32>,
      %get3A_125 = vector.shape_cast %get3A_124 : vector<1x16xi32> to vector<16xi32>
      %add3A_126 = arith.addi %mul3A_120, %get3A_125 : vector<16xi32>
      %swap3A_127 = arith.constant 32 : index
      %swap3A_128 = tpu.vector_load %arg12[%swap3A_127] {strides = array<i32>} : memref<128xi32, #tpu.memory_space<vmem>>, vector<16xi32>,
      %swap3A_129 = vector.shape_cast %swap3A_128 : vector<16xi32> to vector<16xi32>
      %swap3A_130 = vector.shape_cast %add3A_126 : vector<16xi32> to vector<16xi32>
      tpu.vector_store %arg12[%swap3A_127], %swap3A_130 {strides = array<i32>} : memref<128xi32, #tpu.memory_space<vmem>>, vector<16xi32>,
      %get3A_131 = arith.constant 1 : i32
      %get3A_132 = arith.index_cast %get3A_131 : i32 to index
      %get3A_133 = arith.constant 48 : index
      %get3A_134 = tpu.vector_load %arg10[%get3A_132, %get3A_133] {strides = array<i32>} : memref<4x128xi32, #tpu.memory_space<vmem>>, vector<1x16xi32>,
      %get3A_135 = vector.shape_cast %get3A_134 : vector<1x16xi32> to vector<16xi32>
      %mul3A_136 = arith.constant 8 : i32
      %mul3A_137 = vector.broadcast %mul3A_136 : i32 to vector<16xi32>
      %mul3A_138 = arith.muli %get3A_135, %mul3A_137 : vector<16xi32>
      %get3A_139 = arith.constant 2 : i32
      %get3A_140 = arith.index_cast %get3A_139 : i32 to index
      %get3A_141 = arith.constant 48 : index
      %get3A_142 = tpu.vector_load %arg10[%get3A_140, %get3A_141] {strides = array<i32>} : memref<4x128xi32, #tpu.memory_space<vmem>>, vector<1x16xi32>,
      %get3A_143 = vector.shape_cast %get3A_142 : vector<1x16xi32> to vector<16xi32>
      %add3A_144 = arith.addi %mul3A_138, %get3A_143 : vector<16xi32>
      %swap3A_145 = arith.constant 48 : index
      %swap3A_146 = tpu.vector_load %arg11[%swap3A_145] {strides = array<i32>} : memref<128xi32, #tpu.memory_space<vmem>>, vector<16xi32>,
      %swap3A_147 = vector.shape_cast %swap3A_146 : vector<16xi32> to vector<16xi32>
      %swap3A_148 = vector.shape_cast %add3A_144 : vector<16xi32> to vector<16xi32>
      tpu.vector_store %arg11[%swap3A_145], %swap3A_148 {strides = array<i32>} : memref<128xi32, #tpu.memory_space<vmem>>, vector<16xi32>,
      %mul3A_149 = arith.constant 8 : i32
      %mul3A_150 = vector.broadcast %mul3A_149 : i32 to vector<16xi32>
      %mul3A_151 = arith.muli %get3A_135, %mul3A_150 : vector<16xi32>
      %get3A_152 = arith.constant 3 : i32
      %get3A_153 = arith.index_cast %get3A_152 : i32 to index
      %get3A_154 = arith.constant 48 : index
      %get3A_155 = tpu.vector_load %arg10[%get3A_153, %get3A_154] {strides = array<i32>} : memref<4x128xi32, #tpu.memory_space<vmem>>, vector<1x16xi32>,
      %get3A_156 = vector.shape_cast %get3A_155 : vector<1x16xi32> to vector<16xi32>
      %add3A_157 = arith.addi %mul3A_151, %get3A_156 : vector<16xi32>
      %swap3A_158 = arith.constant 48 : index
      %swap3A_159 = tpu.vector_load %arg12[%swap3A_158] {strides = array<i32>} : memref<128xi32, #tpu.memory_space<vmem>>, vector<16xi32>,
      %swap3A_160 = vector.shape_cast %swap3A_159 : vector<16xi32> to vector<16xi32>
      %swap3A_161 = vector.shape_cast %add3A_157 : vector<16xi32> to vector<16xi32>
      tpu.vector_store %arg12[%swap3A_158], %swap3A_161 {strides = array<i32>} : memref<128xi32, #tpu.memory_space<vmem>>, vector<16xi32>,
      %get3A_162 = arith.constant 1 : i32
      %get3A_163 = arith.index_cast %get3A_162 : i32 to index
      %get3A_164 = arith.constant 64 : index
      %get3A_165 = tpu.vector_load %arg10[%get3A_163, %get3A_164] {strides = array<i32>} : memref<4x128xi32, #tpu.memory_space<vmem>>, vector<1x16xi32>,
      %get3A_166 = vector.shape_cast %get3A_165 : vector<1x16xi32> to vector<16xi32>
      %mul3A_167 = arith.constant 8 : i32
      %mul3A_168 = vector.broadcast %mul3A_167 : i32 to vector<16xi32>
      %mul3A_169 = arith.muli %get3A_166, %mul3A_168 : vector<16xi32>
      %get3A_170 = arith.constant 2 : i32
      %get3A_171 = arith.index_cast %get3A_170 : i32 to index
      %get3A_172 = arith.constant 64 : index
      %get3A_173 = tpu.vector_load %arg10[%get3A_171, %get3A_172] {strides = array<i32>} : memref<4x128xi32, #tpu.memory_space<vmem>>, vector<1x16xi32>,
      %get3A_174 = vector.shape_cast %get3A_173 : vector<1x16xi32> to vector<16xi32>
      %add3A_175 = arith.addi %mul3A_169, %get3A_174 : vector<16xi32>
      %swap3A_176 = arith.constant 64 : index
      %swap3A_177 = tpu.vector_load %arg11[%swap3A_176] {strides = array<i32>} : memref<128xi32, #tpu.memory_space<vmem>>, vector<16xi32>,
      %swap3A_178 = vector.shape_cast %swap3A_177 : vector<16xi32> to vector<16xi32>
      %swap3A_179 = vector.shape_cast %add3A_175 : vector<16xi32> to vector<16xi32>
      tpu.vector_store %arg11[%swap3A_176], %swap3A_179 {strides = array<i32>} : memref<128xi32, #tpu.memory_space<vmem>>, vector<16xi32>,
      %mul3A_180 = arith.constant 8 : i32
      %mul3A_181 = vector.broadcast %mul3A_180 : i32 to vector<16xi32>
      %mul3A_182 = arith.muli %get3A_166, %mul3A_181 : vector<16xi32>
      %get3A_183 = arith.constant 3 : i32
      %get3A_184 = arith.index_cast %get3A_183 : i32 to index
      %get3A_185 = arith.constant 64 : index
      %get3A_186 = tpu.vector_load %arg10[%get3A_184, %get3A_185] {strides = array<i32>} : memref<4x128xi32, #tpu.memory_space<vmem>>, vector<1x16xi32>,
      %get3A_187 = vector.shape_cast %get3A_186 : vector<1x16xi32> to vector<16xi32>
      %add3A_188 = arith.addi %mul3A_182, %get3A_187 : vector<16xi32>
      %swap3A_189 = arith.constant 64 : index
      %swap3A_190 = tpu.vector_load %arg12[%swap3A_189] {strides = array<i32>} : memref<128xi32, #tpu.memory_space<vmem>>, vector<16xi32>,
      %swap3A_191 = vector.shape_cast %swap3A_190 : vector<16xi32> to vector<16xi32>
      %swap3A_192 = vector.shape_cast %add3A_188 : vector<16xi32> to vector<16xi32>
      tpu.vector_store %arg12[%swap3A_189], %swap3A_192 {strides = array<i32>} : memref<128xi32, #tpu.memory_space<vmem>>, vector<16xi32>,
      %get3A_193 = arith.constant 1 : i32
      %get3A_194 = arith.index_cast %get3A_193 : i32 to index
      %get3A_195 = arith.constant 80 : index
      %get3A_196 = tpu.vector_load %arg10[%get3A_194, %get3A_195] {strides = array<i32>} : memref<4x128xi32, #tpu.memory_space<vmem>>, vector<1x16xi32>,
      %get3A_197 = vector.shape_cast %get3A_196 : vector<1x16xi32> to vector<16xi32>
      %mul3A_198 = arith.constant 8 : i32
      %mul3A_199 = vector.broadcast %mul3A_198 : i32 to vector<16xi32>
      %mul3A_200 = arith.muli %get3A_197, %mul3A_199 : vector<16xi32>
      %get3A_201 = arith.constant 2 : i32
      %get3A_202 = arith.index_cast %get3A_201 : i32 to index
      %get3A_203 = arith.constant 80 : index
      %get3A_204 = tpu.vector_load %arg10[%get3A_202, %get3A_203] {strides = array<i32>} : memref<4x128xi32, #tpu.memory_space<vmem>>, vector<1x16xi32>,
      %get3A_205 = vector.shape_cast %get3A_204 : vector<1x16xi32> to vector<16xi32>
      %add3A_206 = arith.addi %mul3A_200, %get3A_205 : vector<16xi32>
      %swap3A_207 = arith.constant 80 : index
      %swap3A_208 = tpu.vector_load %arg11[%swap3A_207] {strides = array<i32>} : memref<128xi32, #tpu.memory_space<vmem>>, vector<16xi32>,
      %swap3A_209 = vector.shape_cast %swap3A_208 : vector<16xi32> to vector<16xi32>
      %swap3A_210 = vector.shape_cast %add3A_206 : vector<16xi32> to vector<16xi32>
      tpu.vector_store %arg11[%swap3A_207], %swap3A_210 {strides = array<i32>} : memref<128xi32, #tpu.memory_space<vmem>>, vector<16xi32>,
      %mul3A_211 = arith.constant 8 : i32
      %mul3A_212 = vector.broadcast %mul3A_211 : i32 to vector<16xi32>
      %mul3A_213 = arith.muli %get3A_197, %mul3A_212 : vector<16xi32>
      %get3A_214 = arith.constant 3 : i32
      %get3A_215 = arith.index_cast %get3A_214 : i32 to index
      %get3A_216 = arith.constant 80 : index
      %get3A_217 = tpu.vector_load %arg10[%get3A_215, %get3A_216] {strides = array<i32>} : memref<4x128xi32, #tpu.memory_space<vmem>>, vector<1x16xi32>,
      %get3A_218 = vector.shape_cast %get3A_217 : vector<1x16xi32> to vector<16xi32>
      %add3A_219 = arith.addi %mul3A_213, %get3A_218 : vector<16xi32>
      %swap3A_220 = arith.constant 80 : index
      %swap3A_221 = tpu.vector_load %arg12[%swap3A_220] {strides = array<i32>} : memref<128xi32, #tpu.memory_space<vmem>>, vector<16xi32>,
      %swap3A_222 = vector.shape_cast %swap3A_221 : vector<16xi32> to vector<16xi32>
      %swap3A_223 = vector.shape_cast %add3A_219 : vector<16xi32> to vector<16xi32>
      tpu.vector_store %arg12[%swap3A_220], %swap3A_223 {strides = array<i32>} : memref<128xi32, #tpu.memory_space<vmem>>, vector<16xi32>,
      %get3A_224 = arith.constant 1 : i32
      %get3A_225 = arith.index_cast %get3A_224 : i32 to index
      %get3A_226 = arith.constant 96 : index
      %get3A_227 = tpu.vector_load %arg10[%get3A_225, %get3A_226] {strides = array<i32>} : memref<4x128xi32, #tpu.memory_space<vmem>>, vector<1x16xi32>,
      %get3A_228 = vector.shape_cast %get3A_227 : vector<1x16xi32> to vector<16xi32>
      %mul3A_229 = arith.constant 8 : i32
      %mul3A_230 = vector.broadcast %mul3A_229 : i32 to vector<16xi32>
      %mul3A_231 = arith.muli %get3A_228, %mul3A_230 : vector<16xi32>
      %get3A_232 = arith.constant 2 : i32
      %get3A_233 = arith.index_cast %get3A_232 : i32 to index
      %get3A_234 = arith.constant 96 : index
      %get3A_235 = tpu.vector_load %arg10[%get3A_233, %get3A_234] {strides = array<i32>} : memref<4x128xi32, #tpu.memory_space<vmem>>, vector<1x16xi32>,
      %get3A_236 = vector.shape_cast %get3A_235 : vector<1x16xi32> to vector<16xi32>
      %add3A_237 = arith.addi %mul3A_231, %get3A_236 : vector<16xi32>
      %swap3A_238 = arith.constant 96 : index
      %swap3A_239 = tpu.vector_load %arg11[%swap3A_238] {strides = array<i32>} : memref<128xi32, #tpu.memory_space<vmem>>, vector<16xi32>,
      %swap3A_240 = vector.shape_cast %swap3A_239 : vector<16xi32> to vector<16xi32>
      %swap3A_241 = vector.shape_cast %add3A_237 : vector<16xi32> to vector<16xi32>
      tpu.vector_store %arg11[%swap3A_238], %swap3A_241 {strides = array<i32>} : memref<128xi32, #tpu.memory_space<vmem>>, vector<16xi32>,
      %mul3A_242 = arith.constant 8 : i32
      %mul3A_243 = vector.broadcast %mul3A_242 : i32 to vector<16xi32>
      %mul3A_244 = arith.muli %get3A_228, %mul3A_243 : vector<16xi32>
      %get3A_245 = arith.constant 3 : i32
      %get3A_246 = arith.index_cast %get3A_245 : i32 to index
      %get3A_247 = arith.constant 96 : index
      %get3A_248 = tpu.vector_load %arg10[%get3A_246, %get3A_247] {strides = array<i32>} : memref<4x128xi32, #tpu.memory_space<vmem>>, vector<1x16xi32>,
      %get3A_249 = vector.shape_cast %get3A_248 : vector<1x16xi32> to vector<16xi32>
      %add3A_250 = arith.addi %mul3A_244, %get3A_249 : vector<16xi32>
      %swap3A_251 = arith.constant 96 : index
      %swap3A_252 = tpu.vector_load %arg12[%swap3A_251] {strides = array<i32>} : memref<128xi32, #tpu.memory_space<vmem>>, vector<16xi32>,
      %swap3A_253 = vector.shape_cast %swap3A_252 : vector<16xi32> to vector<16xi32>
      %swap3A_254 = vector.shape_cast %add3A_250 : vector<16xi32> to vector<16xi32>
      tpu.vector_store %arg12[%swap3A_251], %swap3A_254 {strides = array<i32>} : memref<128xi32, #tpu.memory_space<vmem>>, vector<16xi32>,
      %get3A_255 = arith.constant 1 : i32
      %get3A_256 = arith.index_cast %get3A_255 : i32 to index
      %get3A_257 = arith.constant 112 : index
      %get3A_258 = tpu.vector_load %arg10[%get3A_256, %get3A_257] {strides = array<i32>} : memref<4x128xi32, #tpu.memory_space<vmem>>, vector<1x16xi32>,
      %get3A_259 = vector.shape_cast %get3A_258 : vector<1x16xi32> to vector<16xi32>
      %mul3A_260 = arith.constant 8 : i32
      %mul3A_261 = vector.broadcast %mul3A_260 : i32 to vector<16xi32>
      %mul3A_262 = arith.muli %get3A_259, %mul3A_261 : vector<16xi32>
      %get3A_263 = arith.constant 2 : i32
      %get3A_264 = arith.index_cast %get3A_263 : i32 to index
      %get3A_265 = arith.constant 112 : index
      %get3A_266 = tpu.vector_load %arg10[%get3A_264, %get3A_265] {strides = array<i32>} : memref<4x128xi32, #tpu.memory_space<vmem>>, vector<1x16xi32>,
      %get3A_267 = vector.shape_cast %get3A_266 : vector<1x16xi32> to vector<16xi32>
      %add3A_268 = arith.addi %mul3A_262, %get3A_267 : vector<16xi32>
      %swap3A_269 = arith.constant 112 : index
      %swap3A_270 = tpu.vector_load %arg11[%swap3A_269] {strides = array<i32>} : memref<128xi32, #tpu.memory_space<vmem>>, vector<16xi32>,
      %swap3A_271 = vector.shape_cast %swap3A_270 : vector<16xi32> to vector<16xi32>
      %swap3A_272 = vector.shape_cast %add3A_268 : vector<16xi32> to vector<16xi32>
      tpu.vector_store %arg11[%swap3A_269], %swap3A_272 {strides = array<i32>} : memref<128xi32, #tpu.memory_space<vmem>>, vector<16xi32>,
      %mul3A_273 = arith.constant 8 : i32
      %mul3A_274 = vector.broadcast %mul3A_273 : i32 to vector<16xi32>
      %mul3A_275 = arith.muli %get3A_259, %mul3A_274 : vector<16xi32>
      %get3A_276 = arith.constant 3 : i32
      %get3A_277 = arith.index_cast %get3A_276 : i32 to index
      %get3A_278 = arith.constant 112 : index
      %get3A_279 = tpu.vector_load %arg10[%get3A_277, %get3A_278] {strides = array<i32>} : memref<4x128xi32, #tpu.memory_space<vmem>>, vector<1x16xi32>,
      %get3A_280 = vector.shape_cast %get3A_279 : vector<1x16xi32> to vector<16xi32>
      %add3A_281 = arith.addi %mul3A_275, %get3A_280 : vector<16xi32>
      %swap3A_282 = arith.constant 112 : index
      %swap3A_283 = tpu.vector_load %arg12[%swap3A_282] {strides = array<i32>} : memref<128xi32, #tpu.memory_space<vmem>>, vector<16xi32>,
      %swap3A_284 = vector.shape_cast %swap3A_283 : vector<16xi32> to vector<16xi32>
      %swap3A_285 = vector.shape_cast %add3A_281 : vector<16xi32> to vector<16xi32>
      tpu.vector_store %arg12[%swap3A_282], %swap3A_285 {strides = array<i32>} : memref<128xi32, #tpu.memory_space<vmem>>, vector<16xi32>,
      %run_scoped3A_286 = arith.constant 1 : i32
      "tpu.region"() ({
        %run_scoped3A_287 = tpu.sem_alloc : memref<!tpu.dma_semaphore, #tpu.memory_space<semaphore_mem>>
        %dma_start3A = arith.constant 0 : i32
        %dma_start3A_288 = tpu.memref_slice %arg10[%run_scoped3A_286, %dma_start3A] : memref<4x128xi32, #tpu.memory_space<vmem>> -> memref<1x128xi32, #tpu.memory_space<vmem>>
        %dma_start3A_289 = tpu.memref_squeeze %dma_start3A_288 : memref<1x128xi32, #tpu.memory_space<vmem>> -> memref<128xi32, #tpu.memory_space<vmem>>
        %dma_start3A_290 = arith.constant 0 : i32
        %dma_start3A_291 = arith.constant 0 : i32
        %dma_start3A_292 = tpu.memref_slice %arg15[%dma_start3A_290, %dma_start3A_291] : memref<10240x128xf32, #tpu.memory_space<vmem_shared>> -> memref<10240x128xf32, #tpu.memory_space<vmem_shared>>
        tpu.enqueue_indirect_dma source(%arg13 : memref<128x128xf32, #tpu.memory_space<vmem>>) target(%dma_start3A_292 : memref<10240x128xf32, #tpu.memory_space<vmem_shared>>) offsets(%dma_start3A_289 : memref<128xi32, #tpu.memory_space<vmem>>) semaphore(%run_scoped3A_287 : memref<!tpu.dma_semaphore, #tpu.memory_space<semaphore_mem>>) {add = true}
        %dma_wait3A = arith.constant 0 : i32
        %dma_wait3A_293 = tpu.memref_slice %arg10[%run_scoped3A_286, %dma_wait3A] : memref<4x128xi32, #tpu.memory_space<vmem>> -> memref<1x128xi32, #tpu.memory_space<vmem>>
        %dma_wait3A_294 = tpu.memref_squeeze %dma_wait3A_293 : memref<1x128xi32, #tpu.memory_space<vmem>> -> memref<128xi32, #tpu.memory_space<vmem>>
        %dma_wait3A_295 = arith.constant 0 : i32
        %dma_wait3A_296 = arith.constant 0 : i32
        %dma_wait3A_297 = tpu.memref_slice %arg15[%dma_wait3A_295, %dma_wait3A_296] : memref<10240x128xf32, #tpu.memory_space<vmem_shared>> -> memref<10240x128xf32, #tpu.memory_space<vmem_shared>>
        tpu.wait_indirect_dma semaphore(%run_scoped3A_287 : memref<!tpu.dma_semaphore, #tpu.memory_space<semaphore_mem>>) src(%arg13 : memref<128x128xf32, #tpu.memory_space<vmem>>) dst(%dma_wait3A_297 : memref<10240x128xf32, #tpu.memory_space<vmem_shared>>)
        tpu.yield
      }) : () -> ()
      "tpu.region"() ({
        %run_scoped3A_287 = tpu.sem_alloc : memref<!tpu.dma_semaphore, #tpu.memory_space<semaphore_mem>>
        %dma_start3A = arith.constant 0 : i32
        %dma_start3A_288 = tpu.memref_slice %arg16[%dma_start3A] : memref<81920xf32, #tpu.memory_space<vmem_shared>> -> memref<81920xf32, #tpu.memory_space<vmem_shared>>
        tpu.enqueue_indirect_dma source(%arg14 : memref<128xf32, #tpu.memory_space<vmem>>) target(%dma_start3A_288 : memref<81920xf32, #tpu.memory_space<vmem_shared>>) offsets(%arg11 : memref<128xi32, #tpu.memory_space<vmem>>) semaphore(%run_scoped3A_287 : memref<!tpu.dma_semaphore, #tpu.memory_space<semaphore_mem>>) {add = true}
        %dma_wait3A = arith.constant 0 : i32
        %dma_wait3A_289 = tpu.memref_slice %arg16[%dma_wait3A] : memref<81920xf32, #tpu.memory_space<vmem_shared>> -> memref<81920xf32, #tpu.memory_space<vmem_shared>>
        tpu.wait_indirect_dma semaphore(%run_scoped3A_287 : memref<!tpu.dma_semaphore, #tpu.memory_space<semaphore_mem>>) src(%arg14 : memref<128xf32, #tpu.memory_space<vmem>>) dst(%dma_wait3A_289 : memref<81920xf32, #tpu.memory_space<vmem_shared>>)
        tpu.yield
      }) : () -> ()
      "tpu.region"() ({
        %run_scoped3A_287 = tpu.sem_alloc : memref<!tpu.dma_semaphore, #tpu.memory_space<semaphore_mem>>
        %dma_start3A = arith.constant 0 : i32
        %dma_start3A_288 = tpu.memref_slice %arg17[%dma_start3A] : memref<81920xf32, #tpu.memory_space<vmem_shared>> -> memref<81920xf32, #tpu.memory_space<vmem_shared>>
        tpu.enqueue_indirect_dma source(%arg14 : memref<128xf32, #tpu.memory_space<vmem>>) target(%dma_start3A_288 : memref<81920xf32, #tpu.memory_space<vmem_shared>>) offsets(%arg12 : memref<128xi32, #tpu.memory_space<vmem>>) semaphore(%run_scoped3A_287 : memref<!tpu.dma_semaphore, #tpu.memory_space<semaphore_mem>>) {add = true}
        %dma_wait3A = arith.constant 0 : i32
        %dma_wait3A_289 = tpu.memref_slice %arg17[%dma_wait3A] : memref<81920xf32, #tpu.memory_space<vmem_shared>> -> memref<81920xf32, #tpu.memory_space<vmem_shared>>
        tpu.wait_indirect_dma semaphore(%run_scoped3A_287 : memref<!tpu.dma_semaphore, #tpu.memory_space<semaphore_mem>>) src(%arg14 : memref<128xf32, #tpu.memory_space<vmem>>) dst(%dma_wait3A_289 : memref<81920xf32, #tpu.memory_space<vmem_shared>>)
        tpu.yield
      }) : () -> ()
    }
    %barrier3A_31 = arith.constant 0 : index
    tpu.barrier barrier_id(%barrier3A_31)
    %mul3A_32 = arith.constant 640 : i32
    %mul3A_33 = arith.muli %arg1, %mul3A_32 : i32
    %mul3A_34 = arith.constant 5120 : i32
    %mul3A_35 = arith.muli %arg1, %mul3A_34 : i32
    "tpu.region"() ({
      %run_scoped3A = tpu.sem_alloc : memref<!tpu.dma_semaphore, #tpu.memory_space<semaphore_mem>>
      %dma_start3A = arith.constant 0 : i32
      %dma_start3A_36 = tpu.memref_slice %arg7[%arg0, %mul3A_33, %dma_start3A] : memref<2x10240x128xf32, #tpu.memory_space<hbm>> -> memref<1x640x128xf32, #tpu.memory_space<hbm>>
      %dma_start3A_37 = tpu.memref_squeeze %dma_start3A_36 : memref<1x640x128xf32, #tpu.memory_space<hbm>> -> memref<640x128xf32, #tpu.memory_space<hbm>>
      %dma_start3A_38 = arith.constant 0 : i32
      %dma_start3A_39 = tpu.memref_slice %arg15[%mul3A_33, %dma_start3A_38] : memref<10240x128xf32, #tpu.memory_space<vmem_shared>> -> memref<640x128xf32, #tpu.memory_space<vmem_shared>>
      tpu.enqueue_dma source(%dma_start3A_39 : memref<640x128xf32, #tpu.memory_space<vmem_shared>>) target(%dma_start3A_37 : memref<640x128xf32, #tpu.memory_space<hbm>>) target_semaphore(%run_scoped3A : memref<!tpu.dma_semaphore, #tpu.memory_space<semaphore_mem>>)
      %dma_wait3A = arith.constant 0 : i32
      %dma_wait3A_40 = tpu.memref_slice %arg7[%arg0, %mul3A_33, %dma_wait3A] : memref<2x10240x128xf32, #tpu.memory_space<hbm>> -> memref<1x640x128xf32, #tpu.memory_space<hbm>>
      %dma_wait3A_41 = tpu.memref_squeeze %dma_wait3A_40 : memref<1x640x128xf32, #tpu.memory_space<hbm>> -> memref<640x128xf32, #tpu.memory_space<hbm>>
      %dma_wait3A_42 = arith.constant 0 : i32
      %dma_wait3A_43 = tpu.memref_slice %arg15[%mul3A_33, %dma_wait3A_42] : memref<10240x128xf32, #tpu.memory_space<vmem_shared>> -> memref<640x128xf32, #tpu.memory_space<vmem_shared>>
      tpu.wait_dma2 semaphore(%run_scoped3A : memref<!tpu.dma_semaphore, #tpu.memory_space<semaphore_mem>>) src(%dma_wait3A_43 : memref<640x128xf32, #tpu.memory_space<vmem_shared>>) dst(%dma_wait3A_41 : memref<640x128xf32, #tpu.memory_space<hbm>>)
      tpu.yield
    }) : () -> ()
    "tpu.region"() ({
      %run_scoped3A = tpu.sem_alloc : memref<!tpu.dma_semaphore, #tpu.memory_space<semaphore_mem>>
      %dma_start3A = tpu.memref_slice %arg8[%arg0, %mul3A_35] : memref<2x81920xf32, #tpu.memory_space<hbm>> -> memref<1x5120xf32, #tpu.memory_space<hbm>>
      %dma_start3A_36 = tpu.memref_squeeze %dma_start3A : memref<1x5120xf32, #tpu.memory_space<hbm>> -> memref<5120xf32, #tpu.memory_space<hbm>>
      %dma_start3A_37 = tpu.memref_slice %arg16[%mul3A_35] : memref<81920xf32, #tpu.memory_space<vmem_shared>> -> memref<5120xf32, #tpu.memory_space<vmem_shared>>
      tpu.enqueue_dma source(%dma_start3A_37 : memref<5120xf32, #tpu.memory_space<vmem_shared>>) target(%dma_start3A_36 : memref<5120xf32, #tpu.memory_space<hbm>>) target_semaphore(%run_scoped3A : memref<!tpu.dma_semaphore, #tpu.memory_space<semaphore_mem>>)
      %dma_wait3A = tpu.memref_slice %arg8[%arg0, %mul3A_35] : memref<2x81920xf32, #tpu.memory_space<hbm>> -> memref<1x5120xf32, #tpu.memory_space<hbm>>
      %dma_wait3A_38 = tpu.memref_squeeze %dma_wait3A : memref<1x5120xf32, #tpu.memory_space<hbm>> -> memref<5120xf32, #tpu.memory_space<hbm>>
      %dma_wait3A_39 = tpu.memref_slice %arg16[%mul3A_35] : memref<81920xf32, #tpu.memory_space<vmem_shared>> -> memref<5120xf32, #tpu.memory_space<vmem_shared>>
      tpu.wait_dma2 semaphore(%run_scoped3A : memref<!tpu.dma_semaphore, #tpu.memory_space<semaphore_mem>>) src(%dma_wait3A_39 : memref<5120xf32, #tpu.memory_space<vmem_shared>>) dst(%dma_wait3A_38 : memref<5120xf32, #tpu.memory_space<hbm>>)
      tpu.yield
    }) : () -> ()
    "tpu.region"() ({
      %run_scoped3A = tpu.sem_alloc : memref<!tpu.dma_semaphore, #tpu.memory_space<semaphore_mem>>
      %dma_start3A = tpu.memref_slice %arg9[%arg0, %mul3A_35] : memref<2x81920xf32, #tpu.memory_space<hbm>> -> memref<1x5120xf32, #tpu.memory_space<hbm>>
      %dma_start3A_36 = tpu.memref_squeeze %dma_start3A : memref<1x5120xf32, #tpu.memory_space<hbm>> -> memref<5120xf32, #tpu.memory_space<hbm>>
      %dma_start3A_37 = tpu.memref_slice %arg17[%mul3A_35] : memref<81920xf32, #tpu.memory_space<vmem_shared>> -> memref<5120xf32, #tpu.memory_space<vmem_shared>>
      tpu.enqueue_dma source(%dma_start3A_37 : memref<5120xf32, #tpu.memory_space<vmem_shared>>) target(%dma_start3A_36 : memref<5120xf32, #tpu.memory_space<hbm>>) target_semaphore(%run_scoped3A : memref<!tpu.dma_semaphore, #tpu.memory_space<semaphore_mem>>)
      %dma_wait3A = tpu.memref_slice %arg9[%arg0, %mul3A_35] : memref<2x81920xf32, #tpu.memory_space<hbm>> -> memref<1x5120xf32, #tpu.memory_space<hbm>>
      %dma_wait3A_38 = tpu.memref_squeeze %dma_wait3A : memref<1x5120xf32, #tpu.memory_space<hbm>> -> memref<5120xf32, #tpu.memory_space<hbm>>
      %dma_wait3A_39 = tpu.memref_slice %arg17[%mul3A_35] : memref<81920xf32, #tpu.memory_space<vmem_shared>> -> memref<5120xf32, #tpu.memory_space<vmem_shared>>
      tpu.wait_dma2 semaphore(%run_scoped3A : memref<!tpu.dma_semaphore, #tpu.memory_space<semaphore_mem>>) src(%dma_wait3A_39 : memref<5120xf32, #tpu.memory_space<vmem_shared>>) dst(%dma_wait3A_38 : memref<5120xf32, #tpu.memory_space<hbm>>)
      tpu.yield
    }) : () -> ()
    return
  }
}

module attributes {stable_mosaic.version = 14 : i64} {
  func.func @_enc_body(%arg0: i32, %arg1: memref<1000x128xf32, #tpu.memory_space<vmem>>, %arg2: memref<128x128xf32, #tpu.memory_space<vmem>>, %arg3: memref<20x128xi32, #tpu.memory_space<vmem>>, %arg4: memref<1x1xf32, #tpu.memory_space<vmem>>, %arg5: memref<1000x128xf32, #tpu.memory_space<vmem>>) attributes {dimension_semantics = [#tpu.dimension_semantics<arbitrary>], iteration_bounds = array<i64: 10>, scalar_prefetch = 0 : i64, scratch_operands = 0 : i64, tpu.core_type = #tpu.core_type<tc>, window_params = [{transform_indices = @transform_0, window_bounds = array<i64: 1000, 128>}, {pipeline_mode = #tpu.pipeline_mode<synchronous>, transform_indices = @transform_1, window_bounds = array<i64: 128, 128>}, {pipeline_mode = #tpu.pipeline_mode<synchronous>, transform_indices = @transform_2, window_bounds = array<i64: 20, 128>}, {pipeline_mode = #tpu.pipeline_mode<synchronous>, transform_indices = @transform_3, window_bounds = array<i64: 1, 1>}, {transform_indices = @transform_4, window_bounds = array<i64: 1000, 128>}]} {
    %get3A = arith.constant 0 : index
    %get3A_0 = arith.constant 0 : index
    %get3A_1 = vector.load %arg1[%get3A, %get3A_0] : memref<1000x128xf32, #tpu.memory_space<vmem>>, vector<1000x128xf32>
    %ge3A = arith.constant 0.000000e+00 : f32
    %ge3A_2 = vector.broadcast %ge3A : f32 to vector<1000x128xf32>
    %ge3A_3 = arith.cmpf oge, %get3A_1, %ge3A_2 : vector<1000x128xf32>
    %get3A_4 = arith.constant 0 : index
    %get3A_5 = arith.constant 0 : index
    %get3A_6 = vector.load %arg4[%get3A_4, %get3A_5] : memref<1x1xf32, #tpu.memory_space<vmem>>, vector<1x1xf32>
    %mul3A = vector.broadcast %get3A_6 : vector<1x1xf32> to vector<1000x128xf32>
    %mul3A_7 = arith.mulf %mul3A, %get3A_1 : vector<1000x128xf32>
    %select_n3A = arith.select %ge3A_3, %get3A_1, %mul3A_7 : vector<1000x128xi1>, vector<1000x128xf32>
    %get3A_8 = arith.constant 0 : index
    %get3A_9 = arith.constant 0 : index
    %get3A_10 = vector.load %arg2[%get3A_8, %get3A_9] : memref<128x128xf32, #tpu.memory_space<vmem>>, vector<128x128xf32>
    %dot_general3A = arith.constant dense<0.000000e+00> : vector<1000x128xf32>
    %dot_general3A_11 = tpu.matmul %select_n3A, %get3A_10, %dot_general3A {dimension_numbers = #tpu.dot_dimension_numbers<[1], [1], [0], [0], [0, 0, 1, 0], [], []>, precision = #tpu.contract_precision<fp32>, transpose_lhs_hint = false} : vector<1000x128xf32>, vector<128x128xf32>, vector<1000x128xf32> -> vector<1000x128xf32>
    %iota3A = tpu.iota {dimensions = array<i32: 0>} : vector<1000x1xi32>
    %mul3A_12 = arith.constant 1000 : i32
    %mul3A_13 = arith.muli %arg0, %mul3A_12 : i32
    %add3A = vector.broadcast %mul3A_13 : i32 to vector<1000x1xi32>
    %add3A_14 = arith.addi %iota3A, %add3A : vector<1000x1xi32>
    %broadcast_in_dim3A = arith.constant false
    %broadcast_in_dim3A_15 = vector.broadcast %broadcast_in_dim3A : i1 to vector<1000x1xi1>
    %get3A_16 = arith.constant 0 : index
    %get3A_17 = arith.constant 0 : index
    %get3A_18 = vector.load %arg3[%get3A_16, %get3A_17] : memref<20x128xi32, #tpu.memory_space<vmem>>, vector<1x128xi32>
    %eq3A = vector.broadcast %add3A_14 : vector<1000x1xi32> to vector<1000x128xi32>
    %eq3A_19 = vector.broadcast %get3A_18 : vector<1x128xi32> to vector<1000x128xi32>
    %eq3A_20 = arith.cmpi eq, %eq3A, %eq3A_19 : vector<1000x128xi32>
    %reduce_or3A = arith.constant 1.000000e+00 : f32
    %reduce_or3A_21 = arith.constant 0.000000e+00 : f32
    %reduce_or3A_22 = vector.broadcast %reduce_or3A : f32 to vector<1000x128xf32>
    %reduce_or3A_23 = vector.broadcast %reduce_or3A_21 : f32 to vector<1000x128xf32>
    %reduce_or3A_24 = arith.select %eq3A_20, %reduce_or3A_22, %reduce_or3A_23 : vector<1000x128xi1>, vector<1000x128xf32>
    %reduce_or3A_25 = arith.constant dense<0xFF800000> : vector<1000xf32>
    %reduce_or3A_26 = vector.multi_reduction <maximumf>, %reduce_or3A_24, %reduce_or3A_25 [1] : vector<1000x128xf32> to vector<1000xf32>
    %reduce_or3A_27 = arith.constant 0.000000e+00 : f32
    %reduce_or3A_28 = vector.broadcast %reduce_or3A_27 : f32 to vector<1000xf32>
    %reduce_or3A_29 = arith.cmpf ogt, %reduce_or3A_26, %reduce_or3A_28 : vector<1000xf32>
    %broadcast_in_dim3A_30 = vector.shape_cast %reduce_or3A_29 : vector<1000xi1> to vector<1000x1xi1>
    %or3A = arith.ori %broadcast_in_dim3A_15, %broadcast_in_dim3A_30 : vector<1000x1xi1>
    %get3A_31 = arith.constant 1 : index
    %get3A_32 = arith.constant 0 : index
    %get3A_33 = vector.load %arg3[%get3A_31, %get3A_32] : memref<20x128xi32, #tpu.memory_space<vmem>>, vector<1x128xi32>
    %eq3A_34 = vector.broadcast %add3A_14 : vector<1000x1xi32> to vector<1000x128xi32>
    %eq3A_35 = vector.broadcast %get3A_33 : vector<1x128xi32> to vector<1000x128xi32>
    %eq3A_36 = arith.cmpi eq, %eq3A_34, %eq3A_35 : vector<1000x128xi32>
    %reduce_or3A_37 = arith.constant 1.000000e+00 : f32
    %reduce_or3A_38 = arith.constant 0.000000e+00 : f32
    %reduce_or3A_39 = vector.broadcast %reduce_or3A_37 : f32 to vector<1000x128xf32>
    %reduce_or3A_40 = vector.broadcast %reduce_or3A_38 : f32 to vector<1000x128xf32>
    %reduce_or3A_41 = arith.select %eq3A_36, %reduce_or3A_39, %reduce_or3A_40 : vector<1000x128xi1>, vector<1000x128xf32>
    %reduce_or3A_42 = arith.constant dense<0xFF800000> : vector<1000xf32>
    %reduce_or3A_43 = vector.multi_reduction <maximumf>, %reduce_or3A_41, %reduce_or3A_42 [1] : vector<1000x128xf32> to vector<1000xf32>
    %reduce_or3A_44 = arith.constant 0.000000e+00 : f32
    %reduce_or3A_45 = vector.broadcast %reduce_or3A_44 : f32 to vector<1000xf32>
    %reduce_or3A_46 = arith.cmpf ogt, %reduce_or3A_43, %reduce_or3A_45 : vector<1000xf32>
    %broadcast_in_dim3A_47 = vector.shape_cast %reduce_or3A_46 : vector<1000xi1> to vector<1000x1xi1>
    %or3A_48 = arith.ori %or3A, %broadcast_in_dim3A_47 : vector<1000x1xi1>
    %get3A_49 = arith.constant 2 : index
    %get3A_50 = arith.constant 0 : index
    %get3A_51 = vector.load %arg3[%get3A_49, %get3A_50] : memref<20x128xi32, #tpu.memory_space<vmem>>, vector<1x128xi32>
    %eq3A_52 = vector.broadcast %add3A_14 : vector<1000x1xi32> to vector<1000x128xi32>
    %eq3A_53 = vector.broadcast %get3A_51 : vector<1x128xi32> to vector<1000x128xi32>
    %eq3A_54 = arith.cmpi eq, %eq3A_52, %eq3A_53 : vector<1000x128xi32>
    %reduce_or3A_55 = arith.constant 1.000000e+00 : f32
    %reduce_or3A_56 = arith.constant 0.000000e+00 : f32
    %reduce_or3A_57 = vector.broadcast %reduce_or3A_55 : f32 to vector<1000x128xf32>
    %reduce_or3A_58 = vector.broadcast %reduce_or3A_56 : f32 to vector<1000x128xf32>
    %reduce_or3A_59 = arith.select %eq3A_54, %reduce_or3A_57, %reduce_or3A_58 : vector<1000x128xi1>, vector<1000x128xf32>
    %reduce_or3A_60 = arith.constant dense<0xFF800000> : vector<1000xf32>
    %reduce_or3A_61 = vector.multi_reduction <maximumf>, %reduce_or3A_59, %reduce_or3A_60 [1] : vector<1000x128xf32> to vector<1000xf32>
    %reduce_or3A_62 = arith.constant 0.000000e+00 : f32
    %reduce_or3A_63 = vector.broadcast %reduce_or3A_62 : f32 to vector<1000xf32>
    %reduce_or3A_64 = arith.cmpf ogt, %reduce_or3A_61, %reduce_or3A_63 : vector<1000xf32>
    %broadcast_in_dim3A_65 = vector.shape_cast %reduce_or3A_64 : vector<1000xi1> to vector<1000x1xi1>
    %or3A_66 = arith.ori %or3A_48, %broadcast_in_dim3A_65 : vector<1000x1xi1>
    %get3A_67 = arith.constant 3 : index
    %get3A_68 = arith.constant 0 : index
    %get3A_69 = vector.load %arg3[%get3A_67, %get3A_68] : memref<20x128xi32, #tpu.memory_space<vmem>>, vector<1x128xi32>
    %eq3A_70 = vector.broadcast %add3A_14 : vector<1000x1xi32> to vector<1000x128xi32>
    %eq3A_71 = vector.broadcast %get3A_69 : vector<1x128xi32> to vector<1000x128xi32>
    %eq3A_72 = arith.cmpi eq, %eq3A_70, %eq3A_71 : vector<1000x128xi32>
    %reduce_or3A_73 = arith.constant 1.000000e+00 : f32
    %reduce_or3A_74 = arith.constant 0.000000e+00 : f32
    %reduce_or3A_75 = vector.broadcast %reduce_or3A_73 : f32 to vector<1000x128xf32>
    %reduce_or3A_76 = vector.broadcast %reduce_or3A_74 : f32 to vector<1000x128xf32>
    %reduce_or3A_77 = arith.select %eq3A_72, %reduce_or3A_75, %reduce_or3A_76 : vector<1000x128xi1>, vector<1000x128xf32>
    %reduce_or3A_78 = arith.constant dense<0xFF800000> : vector<1000xf32>
    %reduce_or3A_79 = vector.multi_reduction <maximumf>, %reduce_or3A_77, %reduce_or3A_78 [1] : vector<1000x128xf32> to vector<1000xf32>
    %reduce_or3A_80 = arith.constant 0.000000e+00 : f32
    %reduce_or3A_81 = vector.broadcast %reduce_or3A_80 : f32 to vector<1000xf32>
    %reduce_or3A_82 = arith.cmpf ogt, %reduce_or3A_79, %reduce_or3A_81 : vector<1000xf32>
    %broadcast_in_dim3A_83 = vector.shape_cast %reduce_or3A_82 : vector<1000xi1> to vector<1000x1xi1>
    %or3A_84 = arith.ori %or3A_66, %broadcast_in_dim3A_83 : vector<1000x1xi1>
    %get3A_85 = arith.constant 4 : index
    %get3A_86 = arith.constant 0 : index
    %get3A_87 = vector.load %arg3[%get3A_85, %get3A_86] : memref<20x128xi32, #tpu.memory_space<vmem>>, vector<1x128xi32>
    %eq3A_88 = vector.broadcast %add3A_14 : vector<1000x1xi32> to vector<1000x128xi32>
    %eq3A_89 = vector.broadcast %get3A_87 : vector<1x128xi32> to vector<1000x128xi32>
    %eq3A_90 = arith.cmpi eq, %eq3A_88, %eq3A_89 : vector<1000x128xi32>
    %reduce_or3A_91 = arith.constant 1.000000e+00 : f32
    %reduce_or3A_92 = arith.constant 0.000000e+00 : f32
    %reduce_or3A_93 = vector.broadcast %reduce_or3A_91 : f32 to vector<1000x128xf32>
    %reduce_or3A_94 = vector.broadcast %reduce_or3A_92 : f32 to vector<1000x128xf32>
    %reduce_or3A_95 = arith.select %eq3A_90, %reduce_or3A_93, %reduce_or3A_94 : vector<1000x128xi1>, vector<1000x128xf32>
    %reduce_or3A_96 = arith.constant dense<0xFF800000> : vector<1000xf32>
    %reduce_or3A_97 = vector.multi_reduction <maximumf>, %reduce_or3A_95, %reduce_or3A_96 [1] : vector<1000x128xf32> to vector<1000xf32>
    %reduce_or3A_98 = arith.constant 0.000000e+00 : f32
    %reduce_or3A_99 = vector.broadcast %reduce_or3A_98 : f32 to vector<1000xf32>
    %reduce_or3A_100 = arith.cmpf ogt, %reduce_or3A_97, %reduce_or3A_99 : vector<1000xf32>
    %broadcast_in_dim3A_101 = vector.shape_cast %reduce_or3A_100 : vector<1000xi1> to vector<1000x1xi1>
    %or3A_102 = arith.ori %or3A_84, %broadcast_in_dim3A_101 : vector<1000x1xi1>
    %get3A_103 = arith.constant 5 : index
    %get3A_104 = arith.constant 0 : index
    %get3A_105 = vector.load %arg3[%get3A_103, %get3A_104] : memref<20x128xi32, #tpu.memory_space<vmem>>, vector<1x128xi32>
    %eq3A_106 = vector.broadcast %add3A_14 : vector<1000x1xi32> to vector<1000x128xi32>
    %eq3A_107 = vector.broadcast %get3A_105 : vector<1x128xi32> to vector<1000x128xi32>
    %eq3A_108 = arith.cmpi eq, %eq3A_106, %eq3A_107 : vector<1000x128xi32>
    %reduce_or3A_109 = arith.constant 1.000000e+00 : f32
    %reduce_or3A_110 = arith.constant 0.000000e+00 : f32
    %reduce_or3A_111 = vector.broadcast %reduce_or3A_109 : f32 to vector<1000x128xf32>
    %reduce_or3A_112 = vector.broadcast %reduce_or3A_110 : f32 to vector<1000x128xf32>
    %reduce_or3A_113 = arith.select %eq3A_108, %reduce_or3A_111, %reduce_or3A_112 : vector<1000x128xi1>, vector<1000x128xf32>
    %reduce_or3A_114 = arith.constant dense<0xFF800000> : vector<1000xf32>
    %reduce_or3A_115 = vector.multi_reduction <maximumf>, %reduce_or3A_113, %reduce_or3A_114 [1] : vector<1000x128xf32> to vector<1000xf32>
    %reduce_or3A_116 = arith.constant 0.000000e+00 : f32
    %reduce_or3A_117 = vector.broadcast %reduce_or3A_116 : f32 to vector<1000xf32>
    %reduce_or3A_118 = arith.cmpf ogt, %reduce_or3A_115, %reduce_or3A_117 : vector<1000xf32>
    %broadcast_in_dim3A_119 = vector.shape_cast %reduce_or3A_118 : vector<1000xi1> to vector<1000x1xi1>
    %or3A_120 = arith.ori %or3A_102, %broadcast_in_dim3A_119 : vector<1000x1xi1>
    %get3A_121 = arith.constant 6 : index
    %get3A_122 = arith.constant 0 : index
    %get3A_123 = vector.load %arg3[%get3A_121, %get3A_122] : memref<20x128xi32, #tpu.memory_space<vmem>>, vector<1x128xi32>
    %eq3A_124 = vector.broadcast %add3A_14 : vector<1000x1xi32> to vector<1000x128xi32>
    %eq3A_125 = vector.broadcast %get3A_123 : vector<1x128xi32> to vector<1000x128xi32>
    %eq3A_126 = arith.cmpi eq, %eq3A_124, %eq3A_125 : vector<1000x128xi32>
    %reduce_or3A_127 = arith.constant 1.000000e+00 : f32
    %reduce_or3A_128 = arith.constant 0.000000e+00 : f32
    %reduce_or3A_129 = vector.broadcast %reduce_or3A_127 : f32 to vector<1000x128xf32>
    %reduce_or3A_130 = vector.broadcast %reduce_or3A_128 : f32 to vector<1000x128xf32>
    %reduce_or3A_131 = arith.select %eq3A_126, %reduce_or3A_129, %reduce_or3A_130 : vector<1000x128xi1>, vector<1000x128xf32>
    %reduce_or3A_132 = arith.constant dense<0xFF800000> : vector<1000xf32>
    %reduce_or3A_133 = vector.multi_reduction <maximumf>, %reduce_or3A_131, %reduce_or3A_132 [1] : vector<1000x128xf32> to vector<1000xf32>
    %reduce_or3A_134 = arith.constant 0.000000e+00 : f32
    %reduce_or3A_135 = vector.broadcast %reduce_or3A_134 : f32 to vector<1000xf32>
    %reduce_or3A_136 = arith.cmpf ogt, %reduce_or3A_133, %reduce_or3A_135 : vector<1000xf32>
    %broadcast_in_dim3A_137 = vector.shape_cast %reduce_or3A_136 : vector<1000xi1> to vector<1000x1xi1>
    %or3A_138 = arith.ori %or3A_120, %broadcast_in_dim3A_137 : vector<1000x1xi1>
    %get3A_139 = arith.constant 7 : index
    %get3A_140 = arith.constant 0 : index
    %get3A_141 = vector.load %arg3[%get3A_139, %get3A_140] : memref<20x128xi32, #tpu.memory_space<vmem>>, vector<1x128xi32>
    %eq3A_142 = vector.broadcast %add3A_14 : vector<1000x1xi32> to vector<1000x128xi32>
    %eq3A_143 = vector.broadcast %get3A_141 : vector<1x128xi32> to vector<1000x128xi32>
    %eq3A_144 = arith.cmpi eq, %eq3A_142, %eq3A_143 : vector<1000x128xi32>
    %reduce_or3A_145 = arith.constant 1.000000e+00 : f32
    %reduce_or3A_146 = arith.constant 0.000000e+00 : f32
    %reduce_or3A_147 = vector.broadcast %reduce_or3A_145 : f32 to vector<1000x128xf32>
    %reduce_or3A_148 = vector.broadcast %reduce_or3A_146 : f32 to vector<1000x128xf32>
    %reduce_or3A_149 = arith.select %eq3A_144, %reduce_or3A_147, %reduce_or3A_148 : vector<1000x128xi1>, vector<1000x128xf32>
    %reduce_or3A_150 = arith.constant dense<0xFF800000> : vector<1000xf32>
    %reduce_or3A_151 = vector.multi_reduction <maximumf>, %reduce_or3A_149, %reduce_or3A_150 [1] : vector<1000x128xf32> to vector<1000xf32>
    %reduce_or3A_152 = arith.constant 0.000000e+00 : f32
    %reduce_or3A_153 = vector.broadcast %reduce_or3A_152 : f32 to vector<1000xf32>
    %reduce_or3A_154 = arith.cmpf ogt, %reduce_or3A_151, %reduce_or3A_153 : vector<1000xf32>
    %broadcast_in_dim3A_155 = vector.shape_cast %reduce_or3A_154 : vector<1000xi1> to vector<1000x1xi1>
    %or3A_156 = arith.ori %or3A_138, %broadcast_in_dim3A_155 : vector<1000x1xi1>
    %get3A_157 = arith.constant 8 : index
    %get3A_158 = arith.constant 0 : index
    %get3A_159 = vector.load %arg3[%get3A_157, %get3A_158] : memref<20x128xi32, #tpu.memory_space<vmem>>, vector<1x128xi32>
    %eq3A_160 = vector.broadcast %add3A_14 : vector<1000x1xi32> to vector<1000x128xi32>
    %eq3A_161 = vector.broadcast %get3A_159 : vector<1x128xi32> to vector<1000x128xi32>
    %eq3A_162 = arith.cmpi eq, %eq3A_160, %eq3A_161 : vector<1000x128xi32>
    %reduce_or3A_163 = arith.constant 1.000000e+00 : f32
    %reduce_or3A_164 = arith.constant 0.000000e+00 : f32
    %reduce_or3A_165 = vector.broadcast %reduce_or3A_163 : f32 to vector<1000x128xf32>
    %reduce_or3A_166 = vector.broadcast %reduce_or3A_164 : f32 to vector<1000x128xf32>
    %reduce_or3A_167 = arith.select %eq3A_162, %reduce_or3A_165, %reduce_or3A_166 : vector<1000x128xi1>, vector<1000x128xf32>
    %reduce_or3A_168 = arith.constant dense<0xFF800000> : vector<1000xf32>
    %reduce_or3A_169 = vector.multi_reduction <maximumf>, %reduce_or3A_167, %reduce_or3A_168 [1] : vector<1000x128xf32> to vector<1000xf32>
    %reduce_or3A_170 = arith.constant 0.000000e+00 : f32
    %reduce_or3A_171 = vector.broadcast %reduce_or3A_170 : f32 to vector<1000xf32>
    %reduce_or3A_172 = arith.cmpf ogt, %reduce_or3A_169, %reduce_or3A_171 : vector<1000xf32>
    %broadcast_in_dim3A_173 = vector.shape_cast %reduce_or3A_172 : vector<1000xi1> to vector<1000x1xi1>
    %or3A_174 = arith.ori %or3A_156, %broadcast_in_dim3A_173 : vector<1000x1xi1>
    %get3A_175 = arith.constant 9 : index
    %get3A_176 = arith.constant 0 : index
    %get3A_177 = vector.load %arg3[%get3A_175, %get3A_176] : memref<20x128xi32, #tpu.memory_space<vmem>>, vector<1x128xi32>
    %eq3A_178 = vector.broadcast %add3A_14 : vector<1000x1xi32> to vector<1000x128xi32>
    %eq3A_179 = vector.broadcast %get3A_177 : vector<1x128xi32> to vector<1000x128xi32>
    %eq3A_180 = arith.cmpi eq, %eq3A_178, %eq3A_179 : vector<1000x128xi32>
    %reduce_or3A_181 = arith.constant 1.000000e+00 : f32
    %reduce_or3A_182 = arith.constant 0.000000e+00 : f32
    %reduce_or3A_183 = vector.broadcast %reduce_or3A_181 : f32 to vector<1000x128xf32>
    %reduce_or3A_184 = vector.broadcast %reduce_or3A_182 : f32 to vector<1000x128xf32>
    %reduce_or3A_185 = arith.select %eq3A_180, %reduce_or3A_183, %reduce_or3A_184 : vector<1000x128xi1>, vector<1000x128xf32>
    %reduce_or3A_186 = arith.constant dense<0xFF800000> : vector<1000xf32>
    %reduce_or3A_187 = vector.multi_reduction <maximumf>, %reduce_or3A_185, %reduce_or3A_186 [1] : vector<1000x128xf32> to vector<1000xf32>
    %reduce_or3A_188 = arith.constant 0.000000e+00 : f32
    %reduce_or3A_189 = vector.broadcast %reduce_or3A_188 : f32 to vector<1000xf32>
    %reduce_or3A_190 = arith.cmpf ogt, %reduce_or3A_187, %reduce_or3A_189 : vector<1000xf32>
    %broadcast_in_dim3A_191 = vector.shape_cast %reduce_or3A_190 : vector<1000xi1> to vector<1000x1xi1>
    %or3A_192 = arith.ori %or3A_174, %broadcast_in_dim3A_191 : vector<1000x1xi1>
    %get3A_193 = arith.constant 10 : index
    %get3A_194 = arith.constant 0 : index
    %get3A_195 = vector.load %arg3[%get3A_193, %get3A_194] : memref<20x128xi32, #tpu.memory_space<vmem>>, vector<1x128xi32>
    %eq3A_196 = vector.broadcast %add3A_14 : vector<1000x1xi32> to vector<1000x128xi32>
    %eq3A_197 = vector.broadcast %get3A_195 : vector<1x128xi32> to vector<1000x128xi32>
    %eq3A_198 = arith.cmpi eq, %eq3A_196, %eq3A_197 : vector<1000x128xi32>
    %reduce_or3A_199 = arith.constant 1.000000e+00 : f32
    %reduce_or3A_200 = arith.constant 0.000000e+00 : f32
    %reduce_or3A_201 = vector.broadcast %reduce_or3A_199 : f32 to vector<1000x128xf32>
    %reduce_or3A_202 = vector.broadcast %reduce_or3A_200 : f32 to vector<1000x128xf32>
    %reduce_or3A_203 = arith.select %eq3A_198, %reduce_or3A_201, %reduce_or3A_202 : vector<1000x128xi1>, vector<1000x128xf32>
    %reduce_or3A_204 = arith.constant dense<0xFF800000> : vector<1000xf32>
    %reduce_or3A_205 = vector.multi_reduction <maximumf>, %reduce_or3A_203, %reduce_or3A_204 [1] : vector<1000x128xf32> to vector<1000xf32>
    %reduce_or3A_206 = arith.constant 0.000000e+00 : f32
    %reduce_or3A_207 = vector.broadcast %reduce_or3A_206 : f32 to vector<1000xf32>
    %reduce_or3A_208 = arith.cmpf ogt, %reduce_or3A_205, %reduce_or3A_207 : vector<1000xf32>
    %broadcast_in_dim3A_209 = vector.shape_cast %reduce_or3A_208 : vector<1000xi1> to vector<1000x1xi1>
    %or3A_210 = arith.ori %or3A_192, %broadcast_in_dim3A_209 : vector<1000x1xi1>
    %get3A_211 = arith.constant 11 : index
    %get3A_212 = arith.constant 0 : index
    %get3A_213 = vector.load %arg3[%get3A_211, %get3A_212] : memref<20x128xi32, #tpu.memory_space<vmem>>, vector<1x128xi32>
    %eq3A_214 = vector.broadcast %add3A_14 : vector<1000x1xi32> to vector<1000x128xi32>
    %eq3A_215 = vector.broadcast %get3A_213 : vector<1x128xi32> to vector<1000x128xi32>
    %eq3A_216 = arith.cmpi eq, %eq3A_214, %eq3A_215 : vector<1000x128xi32>
    %reduce_or3A_217 = arith.constant 1.000000e+00 : f32
    %reduce_or3A_218 = arith.constant 0.000000e+00 : f32
    %reduce_or3A_219 = vector.broadcast %reduce_or3A_217 : f32 to vector<1000x128xf32>
    %reduce_or3A_220 = vector.broadcast %reduce_or3A_218 : f32 to vector<1000x128xf32>
    %reduce_or3A_221 = arith.select %eq3A_216, %reduce_or3A_219, %reduce_or3A_220 : vector<1000x128xi1>, vector<1000x128xf32>
    %reduce_or3A_222 = arith.constant dense<0xFF800000> : vector<1000xf32>
    %reduce_or3A_223 = vector.multi_reduction <maximumf>, %reduce_or3A_221, %reduce_or3A_222 [1] : vector<1000x128xf32> to vector<1000xf32>
    %reduce_or3A_224 = arith.constant 0.000000e+00 : f32
    %reduce_or3A_225 = vector.broadcast %reduce_or3A_224 : f32 to vector<1000xf32>
    %reduce_or3A_226 = arith.cmpf ogt, %reduce_or3A_223, %reduce_or3A_225 : vector<1000xf32>
    %broadcast_in_dim3A_227 = vector.shape_cast %reduce_or3A_226 : vector<1000xi1> to vector<1000x1xi1>
    %or3A_228 = arith.ori %or3A_210, %broadcast_in_dim3A_227 : vector<1000x1xi1>
    %get3A_229 = arith.constant 12 : index
    %get3A_230 = arith.constant 0 : index
    %get3A_231 = vector.load %arg3[%get3A_229, %get3A_230] : memref<20x128xi32, #tpu.memory_space<vmem>>, vector<1x128xi32>
    %eq3A_232 = vector.broadcast %add3A_14 : vector<1000x1xi32> to vector<1000x128xi32>
    %eq3A_233 = vector.broadcast %get3A_231 : vector<1x128xi32> to vector<1000x128xi32>
    %eq3A_234 = arith.cmpi eq, %eq3A_232, %eq3A_233 : vector<1000x128xi32>
    %reduce_or3A_235 = arith.constant 1.000000e+00 : f32
    %reduce_or3A_236 = arith.constant 0.000000e+00 : f32
    %reduce_or3A_237 = vector.broadcast %reduce_or3A_235 : f32 to vector<1000x128xf32>
    %reduce_or3A_238 = vector.broadcast %reduce_or3A_236 : f32 to vector<1000x128xf32>
    %reduce_or3A_239 = arith.select %eq3A_234, %reduce_or3A_237, %reduce_or3A_238 : vector<1000x128xi1>, vector<1000x128xf32>
    %reduce_or3A_240 = arith.constant dense<0xFF800000> : vector<1000xf32>
    %reduce_or3A_241 = vector.multi_reduction <maximumf>, %reduce_or3A_239, %reduce_or3A_240 [1] : vector<1000x128xf32> to vector<1000xf32>
    %reduce_or3A_242 = arith.constant 0.000000e+00 : f32
    %reduce_or3A_243 = vector.broadcast %reduce_or3A_242 : f32 to vector<1000xf32>
    %reduce_or3A_244 = arith.cmpf ogt, %reduce_or3A_241, %reduce_or3A_243 : vector<1000xf32>
    %broadcast_in_dim3A_245 = vector.shape_cast %reduce_or3A_244 : vector<1000xi1> to vector<1000x1xi1>
    %or3A_246 = arith.ori %or3A_228, %broadcast_in_dim3A_245 : vector<1000x1xi1>
    %get3A_247 = arith.constant 13 : index
    %get3A_248 = arith.constant 0 : index
    %get3A_249 = vector.load %arg3[%get3A_247, %get3A_248] : memref<20x128xi32, #tpu.memory_space<vmem>>, vector<1x128xi32>
    %eq3A_250 = vector.broadcast %add3A_14 : vector<1000x1xi32> to vector<1000x128xi32>
    %eq3A_251 = vector.broadcast %get3A_249 : vector<1x128xi32> to vector<1000x128xi32>
    %eq3A_252 = arith.cmpi eq, %eq3A_250, %eq3A_251 : vector<1000x128xi32>
    %reduce_or3A_253 = arith.constant 1.000000e+00 : f32
    %reduce_or3A_254 = arith.constant 0.000000e+00 : f32
    %reduce_or3A_255 = vector.broadcast %reduce_or3A_253 : f32 to vector<1000x128xf32>
    %reduce_or3A_256 = vector.broadcast %reduce_or3A_254 : f32 to vector<1000x128xf32>
    %reduce_or3A_257 = arith.select %eq3A_252, %reduce_or3A_255, %reduce_or3A_256 : vector<1000x128xi1>, vector<1000x128xf32>
    %reduce_or3A_258 = arith.constant dense<0xFF800000> : vector<1000xf32>
    %reduce_or3A_259 = vector.multi_reduction <maximumf>, %reduce_or3A_257, %reduce_or3A_258 [1] : vector<1000x128xf32> to vector<1000xf32>
    %reduce_or3A_260 = arith.constant 0.000000e+00 : f32
    %reduce_or3A_261 = vector.broadcast %reduce_or3A_260 : f32 to vector<1000xf32>
    %reduce_or3A_262 = arith.cmpf ogt, %reduce_or3A_259, %reduce_or3A_261 : vector<1000xf32>
    %broadcast_in_dim3A_263 = vector.shape_cast %reduce_or3A_262 : vector<1000xi1> to vector<1000x1xi1>
    %or3A_264 = arith.ori %or3A_246, %broadcast_in_dim3A_263 : vector<1000x1xi1>
    %get3A_265 = arith.constant 14 : index
    %get3A_266 = arith.constant 0 : index
    %get3A_267 = vector.load %arg3[%get3A_265, %get3A_266] : memref<20x128xi32, #tpu.memory_space<vmem>>, vector<1x128xi32>
    %eq3A_268 = vector.broadcast %add3A_14 : vector<1000x1xi32> to vector<1000x128xi32>
    %eq3A_269 = vector.broadcast %get3A_267 : vector<1x128xi32> to vector<1000x128xi32>
    %eq3A_270 = arith.cmpi eq, %eq3A_268, %eq3A_269 : vector<1000x128xi32>
    %reduce_or3A_271 = arith.constant 1.000000e+00 : f32
    %reduce_or3A_272 = arith.constant 0.000000e+00 : f32
    %reduce_or3A_273 = vector.broadcast %reduce_or3A_271 : f32 to vector<1000x128xf32>
    %reduce_or3A_274 = vector.broadcast %reduce_or3A_272 : f32 to vector<1000x128xf32>
    %reduce_or3A_275 = arith.select %eq3A_270, %reduce_or3A_273, %reduce_or3A_274 : vector<1000x128xi1>, vector<1000x128xf32>
    %reduce_or3A_276 = arith.constant dense<0xFF800000> : vector<1000xf32>
    %reduce_or3A_277 = vector.multi_reduction <maximumf>, %reduce_or3A_275, %reduce_or3A_276 [1] : vector<1000x128xf32> to vector<1000xf32>
    %reduce_or3A_278 = arith.constant 0.000000e+00 : f32
    %reduce_or3A_279 = vector.broadcast %reduce_or3A_278 : f32 to vector<1000xf32>
    %reduce_or3A_280 = arith.cmpf ogt, %reduce_or3A_277, %reduce_or3A_279 : vector<1000xf32>
    %broadcast_in_dim3A_281 = vector.shape_cast %reduce_or3A_280 : vector<1000xi1> to vector<1000x1xi1>
    %or3A_282 = arith.ori %or3A_264, %broadcast_in_dim3A_281 : vector<1000x1xi1>
    %get3A_283 = arith.constant 15 : index
    %get3A_284 = arith.constant 0 : index
    %get3A_285 = vector.load %arg3[%get3A_283, %get3A_284] : memref<20x128xi32, #tpu.memory_space<vmem>>, vector<1x128xi32>
    %eq3A_286 = vector.broadcast %add3A_14 : vector<1000x1xi32> to vector<1000x128xi32>
    %eq3A_287 = vector.broadcast %get3A_285 : vector<1x128xi32> to vector<1000x128xi32>
    %eq3A_288 = arith.cmpi eq, %eq3A_286, %eq3A_287 : vector<1000x128xi32>
    %reduce_or3A_289 = arith.constant 1.000000e+00 : f32
    %reduce_or3A_290 = arith.constant 0.000000e+00 : f32
    %reduce_or3A_291 = vector.broadcast %reduce_or3A_289 : f32 to vector<1000x128xf32>
    %reduce_or3A_292 = vector.broadcast %reduce_or3A_290 : f32 to vector<1000x128xf32>
    %reduce_or3A_293 = arith.select %eq3A_288, %reduce_or3A_291, %reduce_or3A_292 : vector<1000x128xi1>, vector<1000x128xf32>
    %reduce_or3A_294 = arith.constant dense<0xFF800000> : vector<1000xf32>
    %reduce_or3A_295 = vector.multi_reduction <maximumf>, %reduce_or3A_293, %reduce_or3A_294 [1] : vector<1000x128xf32> to vector<1000xf32>
    %reduce_or3A_296 = arith.constant 0.000000e+00 : f32
    %reduce_or3A_297 = vector.broadcast %reduce_or3A_296 : f32 to vector<1000xf32>
    %reduce_or3A_298 = arith.cmpf ogt, %reduce_or3A_295, %reduce_or3A_297 : vector<1000xf32>
    %broadcast_in_dim3A_299 = vector.shape_cast %reduce_or3A_298 : vector<1000xi1> to vector<1000x1xi1>
    %or3A_300 = arith.ori %or3A_282, %broadcast_in_dim3A_299 : vector<1000x1xi1>
    %get3A_301 = arith.constant 16 : index
    %get3A_302 = arith.constant 0 : index
    %get3A_303 = vector.load %arg3[%get3A_301, %get3A_302] : memref<20x128xi32, #tpu.memory_space<vmem>>, vector<1x128xi32>
    %eq3A_304 = vector.broadcast %add3A_14 : vector<1000x1xi32> to vector<1000x128xi32>
    %eq3A_305 = vector.broadcast %get3A_303 : vector<1x128xi32> to vector<1000x128xi32>
    %eq3A_306 = arith.cmpi eq, %eq3A_304, %eq3A_305 : vector<1000x128xi32>
    %reduce_or3A_307 = arith.constant 1.000000e+00 : f32
    %reduce_or3A_308 = arith.constant 0.000000e+00 : f32
    %reduce_or3A_309 = vector.broadcast %reduce_or3A_307 : f32 to vector<1000x128xf32>
    %reduce_or3A_310 = vector.broadcast %reduce_or3A_308 : f32 to vector<1000x128xf32>
    %reduce_or3A_311 = arith.select %eq3A_306, %reduce_or3A_309, %reduce_or3A_310 : vector<1000x128xi1>, vector<1000x128xf32>
    %reduce_or3A_312 = arith.constant dense<0xFF800000> : vector<1000xf32>
    %reduce_or3A_313 = vector.multi_reduction <maximumf>, %reduce_or3A_311, %reduce_or3A_312 [1] : vector<1000x128xf32> to vector<1000xf32>
    %reduce_or3A_314 = arith.constant 0.000000e+00 : f32
    %reduce_or3A_315 = vector.broadcast %reduce_or3A_314 : f32 to vector<1000xf32>
    %reduce_or3A_316 = arith.cmpf ogt, %reduce_or3A_313, %reduce_or3A_315 : vector<1000xf32>
    %broadcast_in_dim3A_317 = vector.shape_cast %reduce_or3A_316 : vector<1000xi1> to vector<1000x1xi1>
    %or3A_318 = arith.ori %or3A_300, %broadcast_in_dim3A_317 : vector<1000x1xi1>
    %get3A_319 = arith.constant 17 : index
    %get3A_320 = arith.constant 0 : index
    %get3A_321 = vector.load %arg3[%get3A_319, %get3A_320] : memref<20x128xi32, #tpu.memory_space<vmem>>, vector<1x128xi32>
    %eq3A_322 = vector.broadcast %add3A_14 : vector<1000x1xi32> to vector<1000x128xi32>
    %eq3A_323 = vector.broadcast %get3A_321 : vector<1x128xi32> to vector<1000x128xi32>
    %eq3A_324 = arith.cmpi eq, %eq3A_322, %eq3A_323 : vector<1000x128xi32>
    %reduce_or3A_325 = arith.constant 1.000000e+00 : f32
    %reduce_or3A_326 = arith.constant 0.000000e+00 : f32
    %reduce_or3A_327 = vector.broadcast %reduce_or3A_325 : f32 to vector<1000x128xf32>
    %reduce_or3A_328 = vector.broadcast %reduce_or3A_326 : f32 to vector<1000x128xf32>
    %reduce_or3A_329 = arith.select %eq3A_324, %reduce_or3A_327, %reduce_or3A_328 : vector<1000x128xi1>, vector<1000x128xf32>
    %reduce_or3A_330 = arith.constant dense<0xFF800000> : vector<1000xf32>
    %reduce_or3A_331 = vector.multi_reduction <maximumf>, %reduce_or3A_329, %reduce_or3A_330 [1] : vector<1000x128xf32> to vector<1000xf32>
    %reduce_or3A_332 = arith.constant 0.000000e+00 : f32
    %reduce_or3A_333 = vector.broadcast %reduce_or3A_332 : f32 to vector<1000xf32>
    %reduce_or3A_334 = arith.cmpf ogt, %reduce_or3A_331, %reduce_or3A_333 : vector<1000xf32>
    %broadcast_in_dim3A_335 = vector.shape_cast %reduce_or3A_334 : vector<1000xi1> to vector<1000x1xi1>
    %or3A_336 = arith.ori %or3A_318, %broadcast_in_dim3A_335 : vector<1000x1xi1>
    %get3A_337 = arith.constant 18 : index
    %get3A_338 = arith.constant 0 : index
    %get3A_339 = vector.load %arg3[%get3A_337, %get3A_338] : memref<20x128xi32, #tpu.memory_space<vmem>>, vector<1x128xi32>
    %eq3A_340 = vector.broadcast %add3A_14 : vector<1000x1xi32> to vector<1000x128xi32>
    %eq3A_341 = vector.broadcast %get3A_339 : vector<1x128xi32> to vector<1000x128xi32>
    %eq3A_342 = arith.cmpi eq, %eq3A_340, %eq3A_341 : vector<1000x128xi32>
    %reduce_or3A_343 = arith.constant 1.000000e+00 : f32
    %reduce_or3A_344 = arith.constant 0.000000e+00 : f32
    %reduce_or3A_345 = vector.broadcast %reduce_or3A_343 : f32 to vector<1000x128xf32>
    %reduce_or3A_346 = vector.broadcast %reduce_or3A_344 : f32 to vector<1000x128xf32>
    %reduce_or3A_347 = arith.select %eq3A_342, %reduce_or3A_345, %reduce_or3A_346 : vector<1000x128xi1>, vector<1000x128xf32>
    %reduce_or3A_348 = arith.constant dense<0xFF800000> : vector<1000xf32>
    %reduce_or3A_349 = vector.multi_reduction <maximumf>, %reduce_or3A_347, %reduce_or3A_348 [1] : vector<1000x128xf32> to vector<1000xf32>
    %reduce_or3A_350 = arith.constant 0.000000e+00 : f32
    %reduce_or3A_351 = vector.broadcast %reduce_or3A_350 : f32 to vector<1000xf32>
    %reduce_or3A_352 = arith.cmpf ogt, %reduce_or3A_349, %reduce_or3A_351 : vector<1000xf32>
    %broadcast_in_dim3A_353 = vector.shape_cast %reduce_or3A_352 : vector<1000xi1> to vector<1000x1xi1>
    %or3A_354 = arith.ori %or3A_336, %broadcast_in_dim3A_353 : vector<1000x1xi1>
    %get3A_355 = arith.constant 19 : index
    %get3A_356 = arith.constant 0 : index
    %get3A_357 = vector.load %arg3[%get3A_355, %get3A_356] : memref<20x128xi32, #tpu.memory_space<vmem>>, vector<1x128xi32>
    %eq3A_358 = vector.broadcast %add3A_14 : vector<1000x1xi32> to vector<1000x128xi32>
    %eq3A_359 = vector.broadcast %get3A_357 : vector<1x128xi32> to vector<1000x128xi32>
    %eq3A_360 = arith.cmpi eq, %eq3A_358, %eq3A_359 : vector<1000x128xi32>
    %reduce_or3A_361 = arith.constant 1.000000e+00 : f32
    %reduce_or3A_362 = arith.constant 0.000000e+00 : f32
    %reduce_or3A_363 = vector.broadcast %reduce_or3A_361 : f32 to vector<1000x128xf32>
    %reduce_or3A_364 = vector.broadcast %reduce_or3A_362 : f32 to vector<1000x128xf32>
    %reduce_or3A_365 = arith.select %eq3A_360, %reduce_or3A_363, %reduce_or3A_364 : vector<1000x128xi1>, vector<1000x128xf32>
    %reduce_or3A_366 = arith.constant dense<0xFF800000> : vector<1000xf32>
    %reduce_or3A_367 = vector.multi_reduction <maximumf>, %reduce_or3A_365, %reduce_or3A_366 [1] : vector<1000x128xf32> to vector<1000xf32>
    %reduce_or3A_368 = arith.constant 0.000000e+00 : f32
    %reduce_or3A_369 = vector.broadcast %reduce_or3A_368 : f32 to vector<1000xf32>
    %reduce_or3A_370 = arith.cmpf ogt, %reduce_or3A_367, %reduce_or3A_369 : vector<1000xf32>
    %broadcast_in_dim3A_371 = vector.shape_cast %reduce_or3A_370 : vector<1000xi1> to vector<1000x1xi1>
    %or3A_372 = arith.ori %or3A_354, %broadcast_in_dim3A_371 : vector<1000x1xi1>
    %jit3A = arith.constant 0.000000e+00 : f32
    %broadcast_in_dim3A_373 = vector.shape_cast %or3A_372 : vector<1000x1xi1> to vector<1000x1xi1>
    %broadcast_in_dim3A_374 = vector.broadcast %broadcast_in_dim3A_373 : vector<1000x1xi1> to vector<1000x128xi1>
    %broadcast_in_dim3A_375 = vector.broadcast %jit3A : f32 to vector<1000x128xf32>
    %select_n3A_376 = arith.select %broadcast_in_dim3A_374, %broadcast_in_dim3A_375, %dot_general3A_11 : vector<1000x128xi1>, vector<1000x128xf32>
    %swap3A = arith.constant 0 : index
    %swap3A_377 = arith.constant 0 : index
    %swap3A_378 = vector.load %arg5[%swap3A, %swap3A_377] : memref<1000x128xf32, #tpu.memory_space<vmem>>, vector<1000x128xf32>
    tpu.vector_store %arg5[%swap3A, %swap3A_377], %select_n3A_376 {strides = array<i32>} : memref<1000x128xf32, #tpu.memory_space<vmem>>, vector<1000x128xf32>,
    return
  }
  func.func @transform_0(%arg0: i32) -> (i32, i32) {
    %c0_i32 = arith.constant 0 : i32
    %c0_i32_0 = arith.constant 0 : i32
    return %arg0, %c0_i32 : i32, i32
  }
  func.func @transform_1(%arg0: i32) -> (i32, i32) {
    %c0_i32 = arith.constant 0 : i32
    %c0_i32_0 = arith.constant 0 : i32
    %c0_i32_1 = arith.constant 0 : i32
    return %c0_i32, %c0_i32_0 : i32, i32
  }
  func.func @transform_2(%arg0: i32) -> (i32, i32) {
    %c0_i32 = arith.constant 0 : i32
    %c0_i32_0 = arith.constant 0 : i32
    %c0_i32_1 = arith.constant 0 : i32
    return %c0_i32, %c0_i32_0 : i32, i32
  }
  func.func @transform_3(%arg0: i32) -> (i32, i32) {
    %c0_i32 = arith.constant 0 : i32
    %c0_i32_0 = arith.constant 0 : i32
    %c0_i32_1 = arith.constant 0 : i32
    return %c0_i32, %c0_i32_0 : i32, i32
  }
  func.func @transform_4(%arg0: i32) -> (i32, i32) {
    %c0_i32 = arith.constant 0 : i32
    %c0_i32_0 = arith.constant 0 : i32
    return %arg0, %c0_i32 : i32, i32
  }
}

module attributes {stable_mosaic.version = 14 : i64} {
  func.func @_mlp_body(%arg0: i32, %arg1: memref<2x1000x128xf32, #tpu.memory_space<vmem>>, %arg2: memref<2x1000x8xf32, #tpu.memory_space<vmem>>, %arg3: memref<2x1000x8xf32, #tpu.memory_space<vmem>>, %arg4: memref<1000x128xf32, #tpu.memory_space<vmem>>, %arg5: memref<8x128xf32, #tpu.memory_space<vmem>>, %arg6: memref<8x128xf32, #tpu.memory_space<vmem>>, %arg7: memref<256x128xf32, #tpu.memory_space<vmem>>, %arg8: memref<1x256xf32, #tpu.memory_space<vmem>>, %arg9: memref<128x256xf32, #tpu.memory_space<vmem>>, %arg10: memref<1x128xf32, #tpu.memory_space<vmem>>, %arg11: memref<1000x128xf32, #tpu.memory_space<vmem>>) attributes {dimension_semantics = [#tpu.dimension_semantics<arbitrary>], iteration_bounds = array<i64: 10>, scalar_prefetch = 0 : i64, scratch_operands = 0 : i64, tpu.core_type = #tpu.core_type<tc>, window_params = [{transform_indices = @transform_0, window_bounds = array<i64: 2, 1000, 128>}, {transform_indices = @transform_1, window_bounds = array<i64: 2, 1000, 8>}, {transform_indices = @transform_2, window_bounds = array<i64: 2, 1000, 8>}, {transform_indices = @transform_3, window_bounds = array<i64: 1000, 128>}, {pipeline_mode = #tpu.pipeline_mode<synchronous>, transform_indices = @transform_4, window_bounds = array<i64: 8, 128>}, {pipeline_mode = #tpu.pipeline_mode<synchronous>, transform_indices = @transform_5, window_bounds = array<i64: 8, 128>}, {pipeline_mode = #tpu.pipeline_mode<synchronous>, transform_indices = @transform_6, window_bounds = array<i64: 256, 128>}, {pipeline_mode = #tpu.pipeline_mode<synchronous>, transform_indices = @transform_7, window_bounds = array<i64: 1, 256>}, {pipeline_mode = #tpu.pipeline_mode<synchronous>, transform_indices = @transform_8, window_bounds = array<i64: 128, 256>}, {pipeline_mode = #tpu.pipeline_mode<synchronous>, transform_indices = @transform_9, window_bounds = array<i64: 1, 128>}, {transform_indices = @transform_10, window_bounds = array<i64: 1000, 128>}]} {
    %get3A = arith.constant 0 : index
    %get3A_0 = arith.constant 0 : index
    %get3A_1 = arith.constant 0 : index
    %get3A_2 = vector.load %arg1[%get3A, %get3A_0, %get3A_1] : memref<2x1000x128xf32, #tpu.memory_space<vmem>>, vector<1x1000x128xf32>
    %get3A_3 = vector.shape_cast %get3A_2 : vector<1x1000x128xf32> to vector<1000x128xf32>
    %get3A_4 = arith.constant 1 : index
    %get3A_5 = arith.constant 0 : index
    %get3A_6 = arith.constant 0 : index
    %get3A_7 = vector.load %arg1[%get3A_4, %get3A_5, %get3A_6] : memref<2x1000x128xf32, #tpu.memory_space<vmem>>, vector<1x1000x128xf32>
    %get3A_8 = vector.shape_cast %get3A_7 : vector<1x1000x128xf32> to vector<1000x128xf32>
    %add3A = arith.addf %get3A_3, %get3A_8 : vector<1000x128xf32>
    %get3A_9 = arith.constant 0 : index
    %get3A_10 = arith.constant 0 : index
    %get3A_11 = vector.load %arg4[%get3A_9, %get3A_10] : memref<1000x128xf32, #tpu.memory_space<vmem>>, vector<1000x128xf32>
    %add3A_12 = arith.addf %add3A, %get3A_11 : vector<1000x128xf32>
    %get3A_13 = arith.constant 4 : index
    %get3A_14 = arith.constant 0 : index
    %get3A_15 = vector.load %arg5[%get3A_13, %get3A_14] : memref<8x128xf32, #tpu.memory_space<vmem>>, vector<1x128xf32>
    %get3A_16 = arith.constant 0 : index
    %get3A_17 = arith.constant 0 : index
    %get3A_18 = vector.load %arg6[%get3A_16, %get3A_17] : memref<8x128xf32, #tpu.memory_space<vmem>>, vector<1x128xf32>
    %add3A_19 = arith.addf %get3A_15, %get3A_18 : vector<1x128xf32>
    %add3A_20 = vector.broadcast %add3A_19 : vector<1x128xf32> to vector<1000x128xf32>
    %add3A_21 = arith.addf %add3A_12, %add3A_20 : vector<1000x128xf32>
    %get3A_22 = arith.constant 0 : index
    %get3A_23 = arith.constant 0 : index
    %get3A_24 = arith.constant 0 : index
    %get3A_25 = vector.load %arg2[%get3A_22, %get3A_23, %get3A_24] : memref<2x1000x8xf32, #tpu.memory_space<vmem>>, vector<1x1000x8xf32>
    %get3A_26 = vector.shape_cast %get3A_25 : vector<1x1000x8xf32> to vector<1000x8xf32>
    %get3A_27 = arith.constant 1 : index
    %get3A_28 = arith.constant 0 : index
    %get3A_29 = arith.constant 0 : index
    %get3A_30 = vector.load %arg2[%get3A_27, %get3A_28, %get3A_29] : memref<2x1000x8xf32, #tpu.memory_space<vmem>>, vector<1x1000x8xf32>
    %get3A_31 = vector.shape_cast %get3A_30 : vector<1x1000x8xf32> to vector<1000x8xf32>
    %add3A_32 = arith.addf %get3A_26, %get3A_31 : vector<1000x8xf32>
    %get3A_33 = arith.constant 0 : index
    %get3A_34 = arith.constant 0 : index
    %get3A_35 = arith.constant 0 : index
    %get3A_36 = vector.load %arg3[%get3A_33, %get3A_34, %get3A_35] : memref<2x1000x8xf32, #tpu.memory_space<vmem>>, vector<1x1000x8xf32>
    %get3A_37 = vector.shape_cast %get3A_36 : vector<1x1000x8xf32> to vector<1000x8xf32>
    %get3A_38 = arith.constant 1 : index
    %get3A_39 = arith.constant 0 : index
    %get3A_40 = arith.constant 0 : index
    %get3A_41 = vector.load %arg3[%get3A_38, %get3A_39, %get3A_40] : memref<2x1000x8xf32, #tpu.memory_space<vmem>>, vector<1x1000x8xf32>
    %get3A_42 = vector.shape_cast %get3A_41 : vector<1x1000x8xf32> to vector<1000x8xf32>
    %add3A_43 = arith.addf %get3A_37, %get3A_42 : vector<1000x8xf32>
    %get3A_44 = arith.constant 0 : index
    %get3A_45 = arith.constant 0 : index
    %get3A_46 = vector.load %arg5[%get3A_44, %get3A_45] : memref<8x128xf32, #tpu.memory_space<vmem>>, vector<8x128xf32>
    %dot_general3A = arith.constant dense<0.000000e+00> : vector<1000x128xf32>
    %dot_general3A_47 = tpu.matmul %add3A_32, %get3A_46, %dot_general3A {dimension_numbers = #tpu.dot_dimension_numbers<[1], [0], [0], [1], [0, 0, 1, 1], [], []>, precision = #tpu.contract_precision<fp32>, transpose_lhs_hint = false} : vector<1000x8xf32>, vector<8x128xf32>, vector<1000x128xf32> -> vector<1000x128xf32>
    %add3A_48 = arith.addf %add3A_21, %dot_general3A_47 : vector<1000x128xf32>
    %get3A_49 = arith.constant 0 : index
    %get3A_50 = arith.constant 0 : index
    %get3A_51 = vector.load %arg6[%get3A_49, %get3A_50] : memref<8x128xf32, #tpu.memory_space<vmem>>, vector<8x128xf32>
    %dot_general3A_52 = arith.constant dense<0.000000e+00> : vector<1000x128xf32>
    %dot_general3A_53 = tpu.matmul %add3A_43, %get3A_51, %dot_general3A_52 {dimension_numbers = #tpu.dot_dimension_numbers<[1], [0], [0], [1], [0, 0, 1, 1], [], []>, precision = #tpu.contract_precision<fp32>, transpose_lhs_hint = false} : vector<1000x8xf32>, vector<8x128xf32>, vector<1000x128xf32> -> vector<1000x128xf32>
    %add3A_54 = arith.addf %add3A_48, %dot_general3A_53 : vector<1000x128xf32>
    %get3A_55 = arith.constant 0 : index
    %get3A_56 = arith.constant 0 : index
    %get3A_57 = vector.load %arg7[%get3A_55, %get3A_56] : memref<256x128xf32, #tpu.memory_space<vmem>>, vector<256x128xf32>
    %dot_general3A_58 = arith.constant dense<0.000000e+00> : vector<1000x256xf32>
    %dot_general3A_59 = tpu.matmul %add3A_54, %get3A_57, %dot_general3A_58 {dimension_numbers = #tpu.dot_dimension_numbers<[1], [1], [0], [0], [0, 0, 1, 0], [], []>, precision = #tpu.contract_precision<fp32>, transpose_lhs_hint = false} : vector<1000x128xf32>, vector<256x128xf32>, vector<1000x256xf32> -> vector<1000x256xf32>
    %get3A_60 = arith.constant 0 : index
    %get3A_61 = arith.constant 0 : index
    %get3A_62 = vector.load %arg8[%get3A_60, %get3A_61] : memref<1x256xf32, #tpu.memory_space<vmem>>, vector<1x256xf32>
    %add3A_63 = vector.broadcast %get3A_62 : vector<1x256xf32> to vector<1000x256xf32>
    %add3A_64 = arith.addf %dot_general3A_59, %add3A_63 : vector<1000x256xf32>
    %max3A = arith.constant 0.000000e+00 : f32
    %max3A_65 = vector.broadcast %max3A : f32 to vector<1000x256xf32>
    %max3A_66 = arith.maximumf %add3A_64, %max3A_65 : vector<1000x256xf32>
    %get3A_67 = arith.constant 0 : index
    %get3A_68 = arith.constant 0 : index
    %get3A_69 = vector.load %arg9[%get3A_67, %get3A_68] : memref<128x256xf32, #tpu.memory_space<vmem>>, vector<128x256xf32>
    %dot_general3A_70 = arith.constant dense<0.000000e+00> : vector<1000x128xf32>
    %dot_general3A_71 = tpu.matmul %max3A_66, %get3A_69, %dot_general3A_70 {dimension_numbers = #tpu.dot_dimension_numbers<[1], [1], [0], [0], [0, 0, 1, 0], [], []>, precision = #tpu.contract_precision<fp32>, transpose_lhs_hint = false} : vector<1000x256xf32>, vector<128x256xf32>, vector<1000x128xf32> -> vector<1000x128xf32>
    %get3A_72 = arith.constant 0 : index
    %get3A_73 = arith.constant 0 : index
    %get3A_74 = vector.load %arg10[%get3A_72, %get3A_73] : memref<1x128xf32, #tpu.memory_space<vmem>>, vector<1x128xf32>
    %add3A_75 = vector.broadcast %get3A_74 : vector<1x128xf32> to vector<1000x128xf32>
    %add3A_76 = arith.addf %dot_general3A_71, %add3A_75 : vector<1000x128xf32>
    %swap3A = arith.constant 0 : index
    %swap3A_77 = arith.constant 0 : index
    %swap3A_78 = vector.load %arg11[%swap3A, %swap3A_77] : memref<1000x128xf32, #tpu.memory_space<vmem>>, vector<1000x128xf32>
    tpu.vector_store %arg11[%swap3A, %swap3A_77], %add3A_76 {strides = array<i32>} : memref<1000x128xf32, #tpu.memory_space<vmem>>, vector<1000x128xf32>,
    return
  }
  func.func @transform_0(%arg0: i32) -> (i32, i32, i32) {
    %c0_i32 = arith.constant 0 : i32
    %c0_i32_0 = arith.constant 0 : i32
    %c0_i32_1 = arith.constant 0 : i32
    return %c0_i32, %arg0, %c0_i32_0 : i32, i32, i32
  }
  func.func @transform_1(%arg0: i32) -> (i32, i32, i32) {
    %c0_i32 = arith.constant 0 : i32
    %c0_i32_0 = arith.constant 0 : i32
    %c0_i32_1 = arith.constant 0 : i32
    return %c0_i32, %arg0, %c0_i32_0 : i32, i32, i32
  }
  func.func @transform_2(%arg0: i32) -> (i32, i32, i32) {
    %c0_i32 = arith.constant 0 : i32
    %c0_i32_0 = arith.constant 0 : i32
    %c0_i32_1 = arith.constant 0 : i32
    return %c0_i32, %arg0, %c0_i32_0 : i32, i32, i32
  }
  func.func @transform_3(%arg0: i32) -> (i32, i32) {
    %c0_i32 = arith.constant 0 : i32
    %c0_i32_0 = arith.constant 0 : i32
    return %arg0, %c0_i32 : i32, i32
  }
  func.func @transform_4(%arg0: i32) -> (i32, i32) {
    %c0_i32 = arith.constant 0 : i32
    %c0_i32_0 = arith.constant 0 : i32
    %c0_i32_1 = arith.constant 0 : i32
    return %c0_i32, %c0_i32_0 : i32, i32
  }
  func.func @transform_5(%arg0: i32) -> (i32, i32) {
    %c0_i32 = arith.constant 0 : i32
    %c0_i32_0 = arith.constant 0 : i32
    %c0_i32_1 = arith.constant 0 : i32
    return %c0_i32, %c0_i32_0 : i32, i32
  }
  func.func @transform_6(%arg0: i32) -> (i32, i32) {
    %c0_i32 = arith.constant 0 : i32
    %c0_i32_0 = arith.constant 0 : i32
    %c0_i32_1 = arith.constant 0 : i32
    return %c0_i32, %c0_i32_0 : i32, i32
  }
  func.func @transform_7(%arg0: i32) -> (i32, i32) {
    %c0_i32 = arith.constant 0 : i32
    %c0_i32_0 = arith.constant 0 : i32
    %c0_i32_1 = arith.constant 0 : i32
    return %c0_i32, %c0_i32_0 : i32, i32
  }
  func.func @transform_8(%arg0: i32) -> (i32, i32) {
    %c0_i32 = arith.constant 0 : i32
    %c0_i32_0 = arith.constant 0 : i32
    %c0_i32_1 = arith.constant 0 : i32
    return %c0_i32, %c0_i32_0 : i32, i32
  }
  func.func @transform_9(%arg0: i32) -> (i32, i32) {
    %c0_i32 = arith.constant 0 : i32
    %c0_i32_0 = arith.constant 0 : i32
    %c0_i32_1 = arith.constant 0 : i32
    return %c0_i32, %c0_i32_0 : i32, i32
  }
  func.func @transform_10(%arg0: i32) -> (i32, i32) {
    %c0_i32 = arith.constant 0 : i32
    %c0_i32_0 = arith.constant 0 : i32
    return %arg0, %c0_i32 : i32, i32
  }
}

</mosaic_0001>

<sc_bundles>
// kernel: kernel.5.cloned.1.call-start
scs
__scs_entry_jumppad:
0x0: {  	(pc) =	sbr.rel $0x88, $3  }
0x1: {  	(tag) =	ssettag $0x0;
	lr =	simm.s32 $0x1  }
0x2: {  	[smem:$0x3F95] =	sst lr;
	_ =	strace $0xD0000000  }
0x3: {  	_ = 	snop  }
0x4: {  	_ = 	snop  }
0x5: {  	_ = 	snop  }
0x6: {  	_ = 	snop  }
0x7: {  	_ = 	snop  }
__scs_overlays_trampoline_lowered:
0x8: {  	[smem:$0x3FA4] =	sst s0  }
0x9: {  	[smem:$0x3FA5] =	sst s1  }
0xa: {  	[smem:$0x3FA6] =	sst s2  }
0xb: {  	[smem:$0x3FA7] =	sst s3  }
0xc: {  	[smem:$0x3FA8] =	sst s4  }
0xd: {  	[smem:$0x3FA9] =	sst s5  }
0xe: {  	[smem:$0x3FAA] =	sst s6  }
0xf: {  	[smem:$0x3FAB] =	sst s7  }
0x10: {  	[smem:$0x3FAC] =	sst s8  }
0x11: {  	[smem:$0x3FAD] =	sst s9;
	s0 =	simm.s32 @!p0 $0x0  }
0x12: {  	s1 =	sld [smem:$0x3F93];
	s0 =	simm.s32 @p0 $0x1  }
0x13: {  	[smem:$0x3FAE] =	sst s0;
	s0 =	simm.s32 @!p1 $0x0  }
0x14: {  	s2 =	sld [smem:$0x3F92];
	s0 =	simm.s32 @p1 $0x1  }
0x15: {  	[smem:$0x3FAF] =	sst s0;
	s0 =	simm.s32 @!p2 $0x0  }
0x16: {  	s3 =	sld [smem:$0x3FDB];
	s0 =	simm.s32 @p2 $0x1  }
0x17: {  	s4 =	simm.s32 $0x1BF5;
	[smem:$0x3FB1] =	sst s0  }
0x18: {  	s0 =	sld [smem:$0x3F94];
	_ =	swait.ge [sflag:s4], $0x0  }
0x19: {  	s7 =	sld [smem:$0x3F95]  }
0x1a: {  	s8 =	sadd.s32 $0xFFFFE003, lr  }
0x1b: {  	s9 =	sadd.s32 $0xFFFFFEF7, lr;
	s5 =	simm.s32 $0xFFFFFFFF;
	p2 =	slt.u32 s8, $0xFFFFF086  }
0x1c: {  	p1 =	slt.u32 s9, $0xF7A;
	s5 =	simm.s32 @!p2 $0x0  }
0x1d: {  	s5 =	simm.s32 @p1 $0x1;
	p0 =	seq.s32 s7, s2  }
0x1e: {  	s7 =	smul.u32 @!p0 $0xF7A, s2;
	p2 =	seq.s32 @!p0 s5, $0x0  }
0x1f: {  	s9 =	smul.u32 $0xF7A, s1;
	s8 =	simm.s32 @!p0 $0x1BF5;
	p2 =	por !p2, p0  }
0x20: {  	[sflag:s8] =	ssyncset.s32 @!p0 $0xFFFFF086;
	s6 =	sadd.s32 @!p0 s3, s7;
	s7 =	simm.s32 @!p0 $0x108  }
0x21: {  	s3 =	sadd.s32 s3, s9;
	s6 =	sadd.s32 @!p0 $0x88, s6;
	s7 =	simm.s32 @p2 $0x1082  }
0x22: {  	[simem:s7], [sflag:s8] =	dma.local @!p0 [hbm:s6], $0xF7A  }
0x23: {  	s9 =	sor.u32 $0xD0000000, s2;
	s6 =	simm.s32 $0x108;
	_ =	swait.ge @!p0 [sflag:s8], $0x0  }
0x24: {  	s3 =	sadd.s32 $0x88, s3;
	s6 =	simm.s32 @!p1 $0x1082;
	[sflag:s4] =	ssyncset.s32 $0xFFFFF086  }
0x25: {  	[simem:s6], [sflag:s4] =	dma.local [hbm:s3], $0xF7A  }
0x26: {  	[smem:$0x3F95] =	sst s1;
	(tag) =	ssettag s2;
	_ =	strace s9  }
0x27: {  	s1 =	sld [smem:$0x3FA5]  }
0x28: {  	s2 =	sld [smem:$0x3FA6]  }
0x29: {  	s4 =	sld [smem:$0x3FA8]  }
0x2a: {  	p0 =	seq.s32 s5, $0x0;
	s5 =	sld [smem:$0x3FA9]  }
0x2b: {  	s6 =	sld [smem:$0x3FAA]  }
0x2c: {  	s7 =	sld [smem:$0x3FAB]  }
0x2d: {  	s3 =	simm.s32 $0x108;
	s8 =	sld [smem:$0x3FAC]  }
0x2e: {  	s3 =	simm.s32 @!p0 $0x1082;
	s9 =	sld [smem:$0x3FAD]  }
0x2f: {  	lr =	sadd.s32 s0, s3;
	s0 =	sld [smem:$0x3FA4]  }
0x30: {  	s3 =	sld [smem:$0x3FA7]  }
0x31: {  	[smem:$0x3FB0] =	sst s10  }
0x32: {  	s10 =	sld [smem:$0x3FAE];
	_ =	sdelay $0x3  }
0x33: {  	p0 =	seq.s32 s10, $0x1;
	s10 =	sld [smem:$0x3FB0];
	_ =	sdelay $0x3  }
0x34: {  	[smem:$0x3FB0] =	sst s10  }
0x35: {  	s10 =	sld [smem:$0x3FAF];
	_ =	sdelay $0x3  }
0x36: {  	p1 =	seq.s32 s10, $0x1;
	s10 =	sld [smem:$0x3FB0];
	_ =	sdelay $0x3  }
0x37: {  	[smem:$0x3FB0] =	sst s10  }
0x38: {  	s10 =	sld [smem:$0x3FB1]  }
0x39: {  	_ = 	snop;
	(pc) =	sbr.ind lr, $3  }
0x3a: {  	_ = 	snop  }
0x3b: {  	_ = 	snop  }
0x3c: {  	p2 =	seq.s32 s10, $0x1;
	s10 =	sld [smem:$0x3FB0]  }
0x3d: {  	_ =	shalt  }
0x3e: {  	_ =	shalt  }
0x3f: {  	_ =	shalt  }
0x40: {  	_ =	shalt  }
0x41: {  	_ =	shalt  }
0x42: {  	_ =	shalt  }
0x43: {  	_ =	shalt  }
0x44: {  	_ =	shalt  }
0x45: {  	_ =	shalt  }
0x46: {  	_ =	shalt  }
0x47: {  	_ =	shalt  }
0x48: {  	_ =	shalt  }
0x49: {  	_ =	shalt  }
0x4a: {  	_ =	shalt  }
0x4b: {  	_ =	shalt  }
0x4c: {  	_ =	shalt  }
0x4d: {  	_ =	shalt  }
0x4e: {  	_ =	shalt  }
0x4f: {  	_ =	shalt  }
0x50: {  	_ =	shalt  }
0x51: {  	_ =	shalt  }
0x52: {  	_ =	shalt  }
0x53: {  	_ =	shalt  }
0x54: {  	_ =	shalt  }
0x55: {  	_ =	shalt  }
0x56: {  	_ =	shalt  }
0x57: {  	_ =	shalt  }
0x58: {  	_ =	shalt  }
0x59: {  	_ =	shalt  }
0x5a: {  	_ =	shalt  }
0x5b: {  	_ =	shalt  }
0x5c: {  	_ =	shalt  }
0x5d: {  	_ =	shalt  }
0x5e: {  	_ =	shalt  }
0x5f: {  	_ =	shalt  }
0x60: {  	_ =	shalt  }
0x61: {  	_ =	shalt  }
0x62: {  	_ =	shalt  }
0x63: {  	_ =	shalt  }
0x64: {  	_ =	shalt  }
0x65: {  	_ =	shalt  }
0x66: {  	_ =	shalt  }
0x67: {  	_ =	shalt  }
0x68: {  	_ =	shalt  }
0x69: {  	_ =	shalt  }
0x6a: {  	_ =	shalt  }
0x6b: {  	_ =	shalt  }
0x6c: {  	_ =	shalt  }
0x6d: {  	_ =	shalt  }
0x6e: {  	_ =	shalt  }
0x6f: {  	_ =	shalt  }
0x70: {  	_ =	shalt  }
0x71: {  	_ =	shalt  }
0x72: {  	_ =	shalt  }
0x73: {  	_ =	shalt  }
0x74: {  	_ =	shalt  }
0x75: {  	_ =	shalt  }
0x76: {  	_ =	shalt  }
0x77: {  	_ =	shalt  }
0x78: {  	_ =	shalt  }
0x79: {  	_ =	shalt  }
0x7a: {  	_ =	shalt  }
0x7b: {  	_ =	shalt  }
0x7c: {  	_ =	shalt  }
0x7d: {  	_ =	shalt  }
0x7e: {  	_ =	shalt  }
0x7f: {  	_ =	shalt  }
0x80: {  	_ =	shalt  }
0x81: {  	_ =	shalt  }
0x82: {  	_ =	shalt  }
0x83: {  	_ =	shalt  }
0x84: {  	_ =	shalt  }
0x85: {  	_ =	shalt  }
0x86: {  	_ =	shalt  }
0x87: {  	_ =	shalt  }
.Lfunc_end0:
.L_simem_size_0:
called_computation_lowered:
.L_overlay_start_0:
0x88: {  	s2 =	sld [smem:$0x3FD9]  }
0x89: {  	s3 =	sld [smem:$0x3FFE];
	_ =	sdelay $0x1  }
0x8a: {  	s1 =	srdreg.scid  }
0x8b: {  	s0 =	sand.u32 $0x1, s1  }
0x8c: {  	s17 =	sshll.u32 s0, $0xA;
	s2 =	sadd.s32 s3, s2  }
0x8d: {  	s2 =	sadd.s32 s2, s17  }
0x8e: {  	[smem:$0x3FBC] =	sst s2  }
0x8f: {  	_ = 	snop  }
0x90: {  	s2 =	sld [smem:$0x3FD0];
	(tm) =	ssettm $0x1  }
0x91: {  	s18 =	sld [smem:$0x3FFB];
	_ =	sdelay $0x3  }
0x92: {  	_ =	strace s18  }
0x93: {  	s3 =	sld [smem:$0x3FFC];
	_ =	sdelay $0x3  }
0x94: {  	_ =	strace s3  }
0x95: {  	s3 =	sld [smem:$0x3FFD];
	_ =	sdelay $0x3  }
0x96: {  	_ =	strace s3  }
0x97: {  	_ =	strace $0x8FFFFFFF  }
0x98: {  	s19 =	sld [smem:$0x3FDB];
	_ =	sdelay $0x1  }
0x99: {  	s4 =	simm.s32 $_scs_section_size  }
0x9a: {  	s5 =	simm.s32 $_size__tile_overlayer_lowered;
	s6 =	simm.s32 $_tile_overlayer_lowered  }
0x9b: {  	s22 =	simm.s32 $0x1BFF;
	s21 =	sshll.u32 s6, $0x1;
	s3 =	sadd.s32 s4, s19  }
0x9c: {  	s7 =	simm.s32 $0x0;
	s20 =	sshll.u32 s5, $0x1;
	s5 =	sadd.s32 s21, s3  }
0x9d: {  	[timem:s7], [sflag:s22] =	dma.local [hbm:s5], s20  }
0x9e: {  	_ =	swait.ge [sflag:s22], s20  }
0x9f: {  	s4 =	ssub.s32 $0x0, s20;
	[sflag:s22] =	ssyncset.done $0x0  }
0xa0: {  	[sflag:s22] =	ssyncadd.s32 s4;
	_ =	sdelay $0x1  }
0xa1: {  	s23 =	simm.s32 $0x1B8B  }
0xa2: {  	_ =	swait.ge [sflag:s23], $0x1  }
0xa3: {  	[sflag:s23] =	ssyncset.done $0x0  }
0xa4: {  	s25 =	simm.s32 $0x1B8E;
	s24 =	sld [smem:$0x3FFE];
	[sflag:s23] =	ssyncadd.s32 $0xFFFFFFFF  }
0xa5: {  	s26 =	simm.s32 $execute0_lowered;
	[smem:$0x3FD2] =	sst s25  }
0xa6: {  	s5 =	sshll.u32 s26, $0x1;
	_ =	strace $0x80000046;
	[dreg:$0x1] =	wrdreg $0xFFFFFFFF  }
0xa7: {  	s28 =	simm.s32 $_size_execute0_lowered;
	s3 =	sadd.s32 s3, s5;
	[dreg:$0x0] =	wrdreg $0x0  }
0xa8: {  	s5 =	sshll.u32 s28, $0x1;
	[dreg:$0x2] =	wrdreg s3  }
0xa9: {  	[dreg:$0x3] =	wrdreg s5  }
0xaa: {  	[dreg:$0x4] =	wrdreg $0xC0  }
0xab: {  	_ =	task [dreg:s7], $0x5FFFF  }
0xac: {  	[dreg:$0x1] =	wrdreg $0xFFFFFFFF  }
0xad: {  	[dreg:$0x0] =	wrdreg $0x60  }
0xae: {  	[dreg:$0x2] =	wrdreg s24  }
0xaf: {  	[dreg:$0x3] =	wrdreg s2  }
0xb0: {  	[dreg:$0x4] =	wrdreg $0x43800  }
0xb1: {  	[dreg:$0x5] =	wrdreg $0x183800  }
0xb2: {  	[dreg:$0x6] =	wrdreg $0x197800  }
0xb3: {  	[dreg:$0x7] =	wrdreg $0x9  }
0xb4: {  	_ =	task.clear_ibuf [dreg:s7], $0x8FFFF;
	_ =	strace $0x90000046  }
0xb5: {  	s29 =	simm.s32 $0x9;
	_ =	strace $0x80000048  }
0xb6: {  	_ =	swait.ge [sflag:s29], $0x1  }
0xb7: {  	[sflag:s29] =	ssyncadd.s32 $0xFFFFFFFF  }
0xb8: {  	_ =	strace $0x90000048  }
0xb9: {  	_ =	sfence  }
0xba: {  	s30 =	sld [smem:$0x0];
	_ =	sdelay $0x2  }
0xbb: {  	s31 =	sshll.u32 s1, $0xD;
	s1 =	sshrl.u32 s1, $0x2  }
0xbc: {  	s3 =	sand.u32 $0x4000, s31;
	s1 =	sadd.s32 s1, s30  }
0xbd: {  	s0 =	sor.u32 s3, s0;
	s1 =	sshll.u32 s1, $0x11  }
0xbe: {  	s0 =	sor.u32 s1, s0  }
0xbf: {  	s0 =	sadd.s32 $0x8F2B, s0  }
0xc0: {  	[sflag:s0] =	ssyncadd.remote.s32 $0x1  }
0xc1: {  	_ =	sfence.sel $0xFFFF  }
0xc2: {  	[dreg:$0x0] =	wrdreg $0xFFFFFFFF;
	(pc) =	sbr.abs _section_cstart, $3  }
0xc3: {  	[dreg:$0x1] =	wrdreg $0xFFFFFFFF  }
0xc4: {  	_ =	task.clear_ibuf [dreg:s7], $0x2FFFF;
	_ =	strace $0x9FFFFFFF  }
0xc5: {  	(tm) =	ssettm $0x7FFFFFFF  }
tec
execute0_lowered:
.L_overlay_start_1:
0x0: {  	(tag) =	ssettag $0x1  }
0x1: {  	s10 =	rddreg [dreg:$0x0]  }
0x2: {  	s1 =	rddreg [dreg:$0x1]  }
0x3: {  	s3 =	rddreg [dreg:$0x2]  }
0x4: {  	s4 =	rddreg [dreg:$0x3]  }
0x5: {  	s5 =	rddreg [dreg:$0x4];
	s2 =	stileid.u32  }
0x6: {  	s7 =	srdreg.scid;
	s8 =	smul.u32 $0x3C, s2  }
0x7: {  	s0 =	rddreg [dreg:$0x5];
	s11 =	sand.u32 $0x1, s7;
	s7 =	smul.u32 $0x62, s2  }
0x8: {  	s6 =	simm.s32 $0x0;
	s22 =	simm.s32 $0x80;
	s12 =	smul.u32 $0x14000, s2  }
0x9: {  	s23 =	simm.s32 $0x300;
	s24 =	simm.s32 $0x200;
	s13 =	smul.u32 $0x2800, s2  }
0xa: {  	s28 =	simm.s32 $0x10;
	s29 =	simm.s32 $0x0;
	s25 =	smul.u32 $0x50000, s2  }
0xb: {  	[smem:$0x7FF] =	sst s6;
	s31 =	sshll.u32 s2, $0x6;
	s17 =	smul.u32 $0x1400, s2  }
0xc: {  	p0 =	seq.s32 s11, $0x0;
	s9 =	smul.u32 $0x140000, s11;
	_ =	strace $0x80000047  }
0xd: {  	s14 =	sshll.u32 s11, $0x7;
	s11 =	ssub.s32 $0x2, s11;
	s8 =	sadd.s32 $0x620, s8  }
0xe: {  	s13 =	sor.u32 s14, s13;
	s26 =	sshrl.u32 s11, $0x1;
	s30 =	sshrl.u32 s25, $0x2  }
0xf: {  	s20 =	sadd.s32 s17, s4;
	s21 =	sadd.s32 s17, s5;
	s25 =	simm.s32 $0x280  }
0x10: {  	s8 =	smov.u32 @p0 s7;
	s12 =	sadd.s32 s12, s9;
	s9 =	sadd.s32 $0x29400, s10  }
0x11: {  	s13 =	sshrl.u32 s13, $0x3;
	s18 =	ssub.s32 s11, s26;
	s19 =	sadd.s32 s30, s3  }
0x12: {  	s11 =	simm.s32 $0x62;
	s26 =	simm.s32 $0x20;
	s7 =	sshll.u32 s8, $0x6  }
0x13: {  	s8 =	sadd.s32 $0x29600, s10;
	s12 =	sshrl.u32 s12, $0x3;
	s15 =	sadd.s32 s13, s10  }
0x14: {  	s11 =	simm.s32 @!p0 $0x3C;
	s17 =	sshrl.u32 s19, $0x3;
	s19 =	sshrl.u32 s20, $0x3  }
0x15: {  	s20 =	sshrl.u32 s21, $0x3;
	s21 =	simm.s32 $0x4300;
	s16 =	sadd.s32 s7, s10  }
0x16: {  	s7 =	sadd.s32 $0x29A00, s10;
	s12 =	sadd.s32 s12, s10;
	s10 =	sor.u32 $0x1C01, s31  }
0x17: {  	s13 =	sadd.s32 $0x2C200, s15;
	s14 =	sadd.s32 $0x31200, s15;
	s15 =	smax.u32 s18, $0x1  }
0x18: {  	s18 =	simm.s32 $0x1;
	s12 =	sadd.s32 $0x36200, s12;
	s16 =	sadd.s32 $0x1C00, s16  }
.LBB2_1:
0x19: {  	[spmem:s17], [sflag:s10] =	dma.local [hbm:s7], $0x2800  }
0x1a: {  	_ =	swait.ge [sflag:s18], $0x2800  }
0x1b: {  	[sflag:s18] =	ssyncset.done $0x0  }
0x1c: {  	[sflag:s18] =	ssyncadd.s32 $0xFFFFD800  }
0x1d: {  	[spmem:s19], [sflag:s10] =	dma.local [hbm:s8], $0x280  }
0x1e: {  	_ =	swait.ge [sflag:s18], $0x280  }
0x1f: {  	[sflag:s18] =	ssyncset.done $0x0  }
0x20: {  	[sflag:s18] =	ssyncadd.s32 $0xFFFFFD80  }
0x21: {  	[spmem:s20], [sflag:s10] =	dma.local [hbm:s8], $0x280  }
0x22: {  	_ =	swait.ge [sflag:s18], $0x280  }
0x23: {  	[sflag:s18] =	ssyncset.done $0x0  }
0x24: {  	[sflag:s18] =	ssyncadd.s32 $0xFFFFFD80  }
0x25: {  	[tilespmem:s21], [sflag:$0x1] =	stream.linear.gather [hbm4b:s9+s6], $0x80, $0x38;
	[tilespmem:$0x1AB80] =	vst v63  }
0x26: {  	_ =	swait.ge [sflag:s18], $0x80  }
0x27: {  	[sflag:s18] =	ssyncset.done $0x0  }
0x28: {  	[sflag:s18] =	ssyncadd.s32 $0xFFFFFF80  }
0x29: {  	[bflag:$0x0] =	sbarrier.arrive $0xFFFF  }
0x2a: {  	[tilespmem:s6], [sflag:$0x1] =	stream.linear.gather [hbm4b:s16+s6], $0x200, $0x38;
	[tilespmem:$0x1AB80] =	vst v63  }
0x2b: {  	_ =	swait.ge [sflag:s18], $0x200  }
0x2c: {  	[sflag:s18] =	ssyncset.done $0x0  }
0x2d: {  	[sflag:s18] =	ssyncadd.s32 $0xFFFFFE00  }
0x2e: {  	[tilespmem:s23], [sflag:$0x1] =	stream.indirect.gather [hbm4b:s1+s22], $0x80, s6, s22, $0xb8;
	[tilespmem:$0x1AB80] =	vst v63  }
0x2f: {  	_ =	swait.ge [sflag:s18], $0x4000  }
0x30: {  	[sflag:s18] =	ssyncset.done $0x0  }
0x31: {  	[sflag:s18] =	ssyncadd.s32 $0xFFFFC000  }
0x32: {  	v1 =	vld [tilespmem:$0x180]  }
0x33: {  	v0 =	vld [tilespmem:$0x100]  }
0x34: {  	v4 =	vld [tilespmem:$0x1D0]  }
0x35: {  	v7 =	vld [tilespmem:$0xD0]  }
0x36: {  	v9 =	vld [tilespmem:$0x140]  }
0x37: {  	v6 =	vld [tilespmem:$0x150]  }
0x38: {  	v10 =	vld [tilespmem:$0x1C0]  }
0x39: {  	v8 =	vld [tilespmem:$0x1B0]  }
0x3a: {  	p0 =	sne.s32 s11, $0x1;
	v12 =	vld [tilespmem:$0xC0]  }
.Ltmp0:
0x3b: {  	v2 =	vld [tilespmem:$0x1F0];
	(pc) =	sbr.rel @!p0 .LBB2_3-.Ltmp0, $4  }
0x3c: {  	v5 =	vld [tilespmem:$0x80]  }
0x3d: {  	v11 =	vld [tilespmem:$0x130]  }
0x3e: {  	v13 =	vld [tilespmem:$0xB0]  }
0x3f: {  	s30 =	sadd.s32 $0xFFFFFFFF, s11;
	s31 =	smov.u32 s16;
	v3 =	vld [tilespmem:$0x190]  }
.LBB2_2:
0x40: {  	p0 =	sne.s32 s30, $0x1;
	s30 =	sadd.s32 $0xFFFFFFFF, s30;
	v14 =	vld [tilespmem:$0x110];
	s31 =	sadd.s32 $0x40, s31  }
0x41: {  	v15 =	vld [tilespmem:$0x90]  }
0x42: {  	v12 =	vshll.u32 v12, $0x3;
	v16 =	vld [tilespmem:$0x170]  }
0x43: {  	v9 =	vadd.s32 v9, v12;
	v10 =	vadd.s32 v12, v10;
	v13 =	vshll.u32 v13, $0x3;
	v12 =	vld [tilespmem:$0xF0]  }
0x44: {  	v7 =	vshll.u32 v7, $0x3;
	v11 =	vadd.s32 v11, v13;
	v8 =	vadd.s32 v13, v8;
	[tilespmem:$0x2C0] =	vst v10;
	v10 =	vld [tilespmem:$0xE0]  }
0x45: {  	v6 =	vadd.s32 v6, v7;
	v4 =	vadd.s32 v7, v4;
	[tilespmem:$0x240] =	vst v9;
	v7 =	vld [tilespmem:$0x1E0]  }
0x46: {  	v5 =	vshll.u32 v5, $0x3;
	v9 =	vshll.u32 v15, $0x3;
	[tilespmem:$0x230] =	vst v11;
	v11 =	vld [tilespmem:$0x160]  }
0x47: {  	v0 =	vadd.s32 v0, v5;
	v1 =	vadd.s32 v5, v1;
	[tilespmem:$0x2D0] =	vst v4  }
0x48: {  	[tilespmem:$0x2B0] =	vst v8;
	v4 =	vshll.u32 v12, $0x3  }
0x49: {  	v5 =	vadd.s32 v14, v9;
	v8 =	vld [tilespmem:$0x1A0];
	[tilespmem:$0x250] =	vst v6;
	v6 =	vshll.u32 v10, $0x3  }
0x4a: {  	v3 =	vadd.s32 v9, v3;
	v9 =	vadd.s32 v16, v4;
	v2 =	vadd.s32 v4, v2;
	[tilespmem:$0x210] =	vst v5;
	v5 =	vld [tilespmem:$0xA0]  }
0x4b: {  	v4 =	vld [tilespmem:$0x120];
	v10 =	vadd.s32 v11, v6;
	v6 =	vadd.s32 v6, v7;
	[tilespmem:$0x270] =	vst v9  }
0x4c: {  	[tilespmem:$0x2E0] =	vst v6  }
0x4d: {  	[tilespmem:$0x260] =	vst v10  }
0x4e: {  	[tilespmem:$0x2F0] =	vst v2  }
0x4f: {  	[tilespmem:$0x280] =	vst v1;
	v1 =	vshll.u32 v5, $0x3  }
0x50: {  	[tilespmem:$0x290] =	vst v3;
	v2 =	vadd.s32 v4, v1;
	v1 =	vadd.s32 v1, v8  }
0x51: {  	[tilespmem:$0x200] =	vst v0  }
0x52: {  	[tilespmem:$0x2A0] =	vst v1  }
0x53: {  	[tilespmem:$0x220] =	vst v2  }
0x54: {  	[spmem:s3] =	stream.indirect.scatter.add.f32 [tilespmem:s23], [sflag:$0x1], $0x80, s22, s22, $0xb8;
	[tilespmem:$0x1AB80] =	vst v63  }
0x55: {  	_ =	swait.ge [sflag:s18], $0x4000  }
0x56: {  	[sflag:s18] =	ssyncset.done $0x0  }
0x57: {  	[sflag:s18] =	ssyncadd.s32 $0xFFFFC000  }
0x58: {  	[spmem:s4] =	stream.indirect.scatter.add.f32 [tilespmem:s21], [sflag:$0x1], $0x1, s24, s22, $0xb8;
	[tilespmem:$0x1AB80] =	vst v63  }
0x59: {  	_ =	swait.ge [sflag:s18], $0x80  }
0x5a: {  	[sflag:s18] =	ssyncset.done $0x0  }
0x5b: {  	[sflag:s18] =	ssyncadd.s32 $0xFFFFFF80  }
0x5c: {  	[spmem:s5] =	stream.indirect.scatter.add.f32 [tilespmem:s21], [sflag:$0x1], $0x1, s25, s22, $0xb8;
	[tilespmem:$0x1AB80] =	vst v63  }
0x5d: {  	_ =	swait.ge [sflag:s18], $0x80  }
0x5e: {  	[sflag:s18] =	ssyncset.done $0x0  }
0x5f: {  	[sflag:s18] =	ssyncadd.s32 $0xFFFFFF80  }
0x60: {  	[tilespmem:s6], [sflag:$0x1] =	stream.linear.gather [hbm4b:s31+s6], $0x200, $0x38;
	[tilespmem:$0x1AB80] =	vst v63  }
0x61: {  	_ =	swait.ge [sflag:s18], $0x200  }
0x62: {  	[sflag:s18] =	ssyncset.done $0x0  }
0x63: {  	[sflag:s18] =	ssyncadd.s32 $0xFFFFFE00  }
0x64: {  	[tilespmem:s23], [sflag:$0x1] =	stream.indirect.gather [hbm4b:s1+s22], $0x80, s6, s22, $0xb8;
	[tilespmem:$0x1AB80] =	vst v63  }
0x65: {  	_ =	swait.ge [sflag:s18], $0x4000  }
0x66: {  	[sflag:s18] =	ssyncset.done $0x0  }
0x67: {  	[sflag:s18] =	ssyncadd.s32 $0xFFFFC000  }
0x68: {  	v1 =	vld [tilespmem:$0x180]  }
0x69: {  	v0 =	vld [tilespmem:$0x100]  }
0x6a: {  	v4 =	vld [tilespmem:$0x1D0]  }
0x6b: {  	v7 =	vld [tilespmem:$0xD0]  }
0x6c: {  	v9 =	vld [tilespmem:$0x140]  }
0x6d: {  	v6 =	vld [tilespmem:$0x150]  }
0x6e: {  	v10 =	vld [tilespmem:$0x1C0]  }
0x6f: {  	v8 =	vld [tilespmem:$0x1B0]  }
0x70: {  	v12 =	vld [tilespmem:$0xC0]  }
.Ltmp1:
0x71: {  	v2 =	vld [tilespmem:$0x1F0];
	(pc) =	sbr.rel @p0 .LBB2_2-.Ltmp1, $4  }
0x72: {  	v5 =	vld [tilespmem:$0x80]  }
0x73: {  	v11 =	vld [tilespmem:$0x130]  }
0x74: {  	v13 =	vld [tilespmem:$0xB0]  }
0x75: {  	v3 =	vld [tilespmem:$0x190]  }
.LBB2_3:
0x76: {  	v12 =	vshll.u32 v12, $0x3  }
0x77: {  	v14 =	vld [tilespmem:$0x110];
	v10 =	vadd.s32 v12, v10  }
0x78: {  	v15 =	vld [tilespmem:$0x90];
	v7 =	vshll.u32 v7, $0x3;
	v9 =	vadd.s32 v9, v12;
	[tilespmem:$0x2C0] =	vst v10  }
0x79: {  	v16 =	vld [tilespmem:$0x170];
	v4 =	vadd.s32 v7, v4;
	[tilespmem:$0x240] =	vst v9  }
0x7a: {  	v46 =	vld [tilespmem:$0xF0];
	v51 =	vadd.s32 v6, v7;
	v5 =	vshll.u32 v5, $0x3;
	[tilespmem:$0x2D0] =	vst v4  }
0x7b: {  	v48 =	vld [tilespmem:$0xE0];
	[tilespmem:$0x250] =	vst v51;
	v1 =	vadd.s32 v5, v1  }
0x7c: {  	v49 =	vld [tilespmem:$0x1E0];
	v0 =	vadd.s32 v0, v5;
	v13 =	vshll.u32 v13, $0x3;
	[tilespmem:$0x280] =	vst v1  }
0x7d: {  	v50 =	vld [tilespmem:$0x160];
	[tilespmem:$0x200] =	vst v0;
	v47 =	vadd.s32 v11, v13  }
0x7e: {  	v8 =	vadd.s32 v13, v8;
	[tilespmem:$0x230] =	vst v47;
	v52 =	vshll.u32 v15, $0x3  }
0x7f: {  	v57 =	vld [tilespmem:$0xA0];
	[tilespmem:$0x2B0] =	vst v8;
	v53 =	vshll.u32 v46, $0x3;
	v54 =	vadd.s32 v14, v52  }
0x80: {  	v58 =	vld [tilespmem:$0x1A0];
	v55 =	vshll.u32 v48, $0x3;
	v56 =	vadd.s32 v16, v53;
	[tilespmem:$0x210] =	vst v54  }
0x81: {  	v59 =	vld [tilespmem:$0x120];
	v9 =	vadd.s32 v55, v49;
	[tilespmem:$0x270] =	vst v56  }
0x82: {  	v4 =	vadd.s32 v50, v55;
	[tilespmem:$0x2E0] =	vst v9  }
0x83: {  	v2 =	vadd.s32 v53, v2;
	[tilespmem:$0x260] =	vst v4  }
0x84: {  	v61 =	vshll.u32 v57, $0x3;
	v60 =	vadd.s32 v52, v3;
	[tilespmem:$0x2F0] =	vst v2  }
0x85: {  	v62 =	vadd.s32 v61, v58;
	[tilespmem:$0x290] =	vst v60  }
0x86: {  	v63 =	vadd.s32 v59, v61;
	[tilespmem:$0x2A0] =	vst v62  }
0x87: {  	[tilespmem:$0x220] =	vst v63  }
0x88: {  	[spmem:s3] =	stream.indirect.scatter.add.f32 [tilespmem:s23], [sflag:$0x1], $0x80, s22, s22, $0xb8;
	[tilespmem:$0x1AB80] =	vst v63  }
0x89: {  	_ =	swait.ge [sflag:s18], $0x4000  }
0x8a: {  	[sflag:s18] =	ssyncset.done $0x0  }
0x8b: {  	[sflag:s18] =	ssyncadd.s32 $0xFFFFC000  }
0x8c: {  	[spmem:s4] =	stream.indirect.scatter.add.f32 [tilespmem:s21], [sflag:$0x1], $0x1, s24, s22, $0xb8;
	[tilespmem:$0x1AB80] =	vst v63  }
0x8d: {  	_ =	swait.ge [sflag:s18], $0x80  }
0x8e: {  	[sflag:s18] =	ssyncset.done $0x0  }
0x8f: {  	[sflag:s18] =	ssyncadd.s32 $0xFFFFFF80  }
0x90: {  	[spmem:s5] =	stream.indirect.scatter.add.f32 [tilespmem:s21], [sflag:$0x1], $0x1, s25, s22, $0xb8;
	[tilespmem:$0x1AB80] =	vst v63  }
0x91: {  	_ =	swait.ge [sflag:s18], $0x80  }
0x92: {  	[sflag:s18] =	ssyncset.done $0x0  }
0x93: {  	[sflag:s18] =	ssyncadd.s32 $0xFFFFFF80  }
0x94: {  	[bflag:$0x0] =	sbarrier.arrive $0xFFFF  }
0x95: {  	[hbm:s12], [sflag:s10] =	dma.local [spmem:s17], $0x2800  }
0x96: {  	_ =	swait.ge [sflag:s18], $0x2800  }
0x97: {  	[sflag:s18] =	ssyncset.done $0x0  }
0x98: {  	[sflag:s18] =	ssyncadd.s32 $0xFFFFD800  }
0x99: {  	[hbm:s13@s26], [sflag:s10] =	dma.strided [spmem:s19@s28], $0x280, s18, $0x10   }
0x9a: {  	s29 =	sadd.s32 $0x1, s29;
	_ =	swait.ge [sflag:s18], $0x280  }
0x9b: {  	p0 =	sne.s32 s29, s15;
	[sflag:s18] =	ssyncset.done $0x0  }
.Ltmp2:
0x9c: {  	[sflag:s18] =	ssyncadd.s32 $0xFFFFFD80;
	(pc) =	sbr.rel @p0 .LBB2_1-.Ltmp2, $4  }
0x9d: {  	[hbm:s14@s26], [sflag:s10] =	dma.strided [spmem:s20@s28], $0x280, s18, $0x10   }
0x9e: {  	_ =	swait.ge [sflag:s18], $0x280  }
0x9f: {  	[sflag:s18] =	ssyncset.done $0x0  }
0xa0: {  	[sflag:s18] =	ssyncadd.s32 $0xFFFFFD80  }
0xa1: {  	_ =	sfence.sel $0x180000  }
0xa2: {  	[bflag:$0x0] =	sbarrier.arrive $0xFFFF  }
0xa3: {  	p0 =	sne.s32 s2, $0x0;
	_ =	strace $0x90000047  }
0xa4: {  	s0 =	sadd.s32 @!p0 $0x100000, s0;
	[bflag:$0x2] =	sbarrier.arrive $0xFFFF  }
0xa5: {  	[sflag:s0] =	ssyncadd.tile.s32 @!p0 $0x1;
	_ =	shalt  }
.Lfunc_end2:
_tile_overlayer_lowered:
.L_overlay_start_2:
0xa6: {  	(tag) =	ssettag $0x2  }
0xa7: {  	s0 =	rddreg [dreg:$0x0];
	s2 =	stileid.u32  }
0xa8: {  	s1 =	rddreg [dreg:$0x1];
	p0 =	sne.s32 s2, $0x0  }
0xa9: {  	s3 =	rddreg [dreg:$0x2];
	[bflag:$0x3] =	sbarrier.arrive $0xFFFF;
	s2 =	simm.s32 @!p0 $0x1C01  }
0xaa: {  	[timem:s3], [sflag:s2] =	dma.local @!p0 [hbm:s0], s1  }
0xab: {  	s0 =	simm.s32 @!p0 $0x1  }
0xac: {  	_ =	swait.ge @!p0 [sflag:s0], s1  }
0xad: {  	s1 =	ssub.s32 @!p0 $0x0, s1;
	[sflag:s0] =	ssyncset.done @!p0 $0x0  }
0xae: {  	[sflag:s0] =	ssyncadd.s32 @!p0 s1  }
0xaf: {  	[bflag:$0x3] =	sbarrier.arrive $0xFFFF  }
0xb0: {  	_ =	shalt  }

</sc_bundles>
